<compile_context>
chip_gen: v7x
topology: tpu7x:2x2x1
jax: 0.10.2.dev20260603
libtpu: 0.0.44.dev20260713+nightly
codegen_flags: <defaults>
</compile_context>

<pallas_src>
import functools

import jax
import jax.numpy as jnp
from jax import lax
from jax.experimental import pallas as pl
from jax.experimental.pallas import tpu as pltpu
from jax.experimental.pallas import tpu_sc as plsc

N_NODES = 10000
N_EDGES = 320000
IN_DIM = 128
HIDDEN = 64

NP = 10240
DEAD = 10200
NC = 2
NS = 16
NW = NC * NS
K = 128
C = 80
ROWS_PER_TILE = NP // NS
RB = 1280
W1 = HIDDEN + 16
W2 = HIDDEN


def _sc_segment_sum(width):

  @functools.partial(
      pl.kernel,
      out_type=jax.ShapeDtypeStruct((NC, NP, width), jnp.float32),
      mesh=plsc.VectorSubcoreMesh(core_axis_name="c", subcore_axis_name="s"),
      scratch_types=[
          pltpu.VMEM((C, K), jnp.int32),
          pltpu.VMEM((C, K), jnp.int32),
          pltpu.VMEM((K, width), jnp.float32),
          pltpu.VMEM_SHARED((NP, width), jnp.float32),
          pltpu.SemaphoreType.DMA,
      ],
      compiler_params=pltpu.CompilerParams(use_tc_tiling_on_sc=False),
  )
  def sc_kernel(z_hbm, src_hbm, dst_hbm, zero_hbm, out_hbm,
                src_v, dst_v, rows_v, acc, sem):
    c = lax.axis_index("c")
    s = lax.axis_index("s")
    w = c * NS + s
    r0 = s * ROWS_PER_TILE
    pltpu.sync_copy(zero_hbm.at[pl.ds(r0, ROWS_PER_TILE)],
                    acc.at[pl.ds(r0, ROWS_PER_TILE)])
    pltpu.sync_copy(src_hbm.at[w], src_v)
    pltpu.sync_copy(dst_hbm.at[w], dst_v)
    plsc.subcore_barrier()

    def body(j, carry):
      pltpu.async_copy(z_hbm.at[src_v.at[j]], rows_v, sem).wait()
      pltpu.sync_copy(rows_v, acc.at[dst_v.at[j]], add=True)
      return carry

    lax.fori_loop(0, C, body, 0)
    plsc.subcore_barrier()
    pltpu.sync_copy(acc.at[pl.ds(r0, ROWS_PER_TILE)],
                    out_hbm.at[c, pl.ds(r0, ROWS_PER_TILE)])

  return sc_kernel


def _tc1(xp, W_l1, W_r1):

  def body(x_ref, wl_ref, wr_ref, z_ref, xl_ref):
    x = x_ref[...]
    zr = jnp.dot(x, wr_ref[...], preferred_element_type=jnp.float32)
    extra = (lax.broadcasted_iota(jnp.int32, (RB, W1 - HIDDEN), 1) == 0)
    z_ref[...] = jnp.concatenate([zr, extra.astype(jnp.float32)], axis=1)
    xl_ref[...] = jnp.dot(x, wl_ref[...], preferred_element_type=jnp.float32)

  return pl.pallas_call(
      body,
      grid=(NP // RB,),
      in_specs=[
          pl.BlockSpec((RB, IN_DIM), lambda i: (i, 0)),
          pl.BlockSpec((IN_DIM, HIDDEN), lambda i: (0, 0)),
          pl.BlockSpec((IN_DIM, HIDDEN), lambda i: (0, 0)),
      ],
      out_specs=[
          pl.BlockSpec((RB, W1), lambda i: (i, 0)),
          pl.BlockSpec((RB, HIDDEN), lambda i: (i, 0)),
      ],
      out_shape=[
          jax.ShapeDtypeStruct((NP, W1), jnp.float32),
          jax.ShapeDtypeStruct((NP, HIDDEN), jnp.float32),
      ],
  )(xp, W_l1, W_r1)


def _tc2(xl1, P1, b1, W_l2, W_r2):

  def body(xl_ref, p_ref, b_ref, wl_ref, wr_ref, z2_ref, hl2_ref, rdeg_ref):
    p = p_ref[0] + p_ref[1]
    s1 = p[:, 0:HIDDEN]
    deg = jnp.maximum(p[:, HIDDEN:HIDDEN + 1], 1.0)
    h1 = jnp.maximum(xl_ref[...] + s1 / deg + b_ref[...], 0.0)
    z2_ref[...] = jnp.dot(h1, wr_ref[...], preferred_element_type=jnp.float32)
    hl2_ref[...] = jnp.dot(h1, wl_ref[...], preferred_element_type=jnp.float32)
    rdeg_ref[...] = jnp.broadcast_to(1.0 / deg, (RB, HIDDEN))

  return pl.pallas_call(
      body,
      grid=(NP // RB,),
      in_specs=[
          pl.BlockSpec((RB, HIDDEN), lambda i: (i, 0)),
          pl.BlockSpec((NC, RB, W1), lambda i: (0, i, 0)),
          pl.BlockSpec((1, HIDDEN), lambda i: (0, 0)),
          pl.BlockSpec((HIDDEN, HIDDEN), lambda i: (0, 0)),
          pl.BlockSpec((HIDDEN, HIDDEN), lambda i: (0, 0)),
      ],
      out_specs=[
          pl.BlockSpec((RB, HIDDEN), lambda i: (i, 0)),
          pl.BlockSpec((RB, HIDDEN), lambda i: (i, 0)),
          pl.BlockSpec((RB, HIDDEN), lambda i: (i, 0)),
      ],
      out_shape=[
          jax.ShapeDtypeStruct((NP, HIDDEN), jnp.float32),
          jax.ShapeDtypeStruct((NP, HIDDEN), jnp.float32),
          jax.ShapeDtypeStruct((NP, HIDDEN), jnp.float32),
      ],
  )(xl1, P1, b1, W_l2, W_r2)


def _tc3(hl2, P2, rdegb, b2):

  def body(hl_ref, p_ref, r_ref, b_ref, out_ref):
    s2 = p_ref[0] + p_ref[1]
    out_ref[...] = hl_ref[...] + s2 * r_ref[...] + b_ref[...]

  return pl.pallas_call(
      body,
      grid=(NP // RB,),
      in_specs=[
          pl.BlockSpec((RB, HIDDEN), lambda i: (i, 0)),
          pl.BlockSpec((NC, RB, W2), lambda i: (0, i, 0)),
          pl.BlockSpec((RB, HIDDEN), lambda i: (i, 0)),
          pl.BlockSpec((1, HIDDEN), lambda i: (0, 0)),
      ],
      out_specs=pl.BlockSpec((RB, HIDDEN), lambda i: (i, 0)),
      out_shape=jax.ShapeDtypeStruct((NP, HIDDEN), jnp.float32),
  )(hl2, P2, rdegb, b2)


@jax.jit
def kernel(x, edge_index, W_l1, W_r1, b1, W_l2, W_r2, b2):
  x = x.astype(jnp.float32)
  src = edge_index[0].astype(jnp.int32)
  dst = edge_index[1].astype(jnp.int32)
  pad = NW * C * K - N_EDGES
  srcs = jnp.concatenate([src, jnp.zeros((pad,), jnp.int32)]).reshape(NW, C, K)
  dsts = jnp.concatenate([dst, jnp.full((pad,), DEAD, jnp.int32)]).reshape(NW, C, K)
  xp = jnp.pad(x, ((0, NP - N_NODES), (0, 0)))

  z1p, xl1 = _tc1(xp, W_l1, W_r1)
  P1 = _sc_segment_sum(W1)(z1p, srcs, dsts, jnp.zeros((NP, W1), jnp.float32))
  z2, hl2, rdegb = _tc2(xl1, P1, b1.reshape(1, HIDDEN), W_l2, W_r2)
  P2 = _sc_segment_sum(W2)(z2, srcs, dsts, jnp.zeros((NP, W2), jnp.float32))
  h2 = _tc3(hl2, P2, rdegb, b2.reshape(1, HIDDEN))
  return h2[None, :N_NODES, :]

# --- scband reference (transcript-rebuilt; emitter-appended) ---
"""Pipeline reference for scband-euler-gnn-72447508349676 (READ-ONLY COPY).

The authoritative reference and input builder live on the scoring server;
editing this copy changes nothing except your own understanding.
"""

import jax, jax.numpy as jnp
import numpy as np

N_NODES = 10000
N_EDGES = 320000
IN_DIM = 128
HIDDEN = 64


def setup_inputs(seed: int = 0) -> dict:
    key = jax.random.key(seed)
    ks = jax.random.split(key, 9)
    x = jax.random.normal(ks[0], (N_NODES, IN_DIM), dtype=jnp.float32)
    edge_index = jax.random.randint(ks[1], (2, N_EDGES), 0, N_NODES)
    # GraphSAGE parameters: 2 SAGEConv layers, each with lin_l (self) and lin_r (neighbor agg)
    W_l1 = jax.random.normal(ks[2], (IN_DIM, HIDDEN), dtype=jnp.float32) * (1.0 / np.sqrt(IN_DIM))
    W_r1 = jax.random.normal(ks[3], (IN_DIM, HIDDEN), dtype=jnp.float32) * (1.0 / np.sqrt(IN_DIM))
    b1 = jnp.zeros((HIDDEN,), dtype=jnp.float32)
    W_l2 = jax.random.normal(ks[4], (HIDDEN, HIDDEN), dtype=jnp.float32) * (1.0 / np.sqrt(HIDDEN))
    W_r2 = jax.random.normal(ks[5], (HIDDEN, HIDDEN), dtype=jnp.float32) * (1.0 / np.sqrt(HIDDEN))
    b2 = jnp.zeros((HIDDEN,), dtype=jnp.float32)
    return {"x": x, "edge_index": edge_index, "W_l1": W_l1, "W_r1": W_r1, "b1": b1,
            "W_l2": W_l2, "W_r2": W_r2, "b2": b2}


def _sage_conv(h, src, dst, Wl, Wr, b, n_nodes):
    # mean aggregation of neighbor (src) features at dst nodes
    deg = jax.ops.segment_sum(jnp.ones_like(src, dtype=h.dtype), dst, num_segments=n_nodes)
    agg = jax.ops.segment_sum(jnp.take(h, src, axis=0), dst, num_segments=n_nodes)
    agg = agg / jnp.clip(deg, 1.0)[:, None]
    return h @ Wl + agg @ Wr + b


def reference(x, edge_index, W_l1, W_r1, b1, W_l2, W_r2, b2):
    # EulerGNN.forward with a single snapshot (len(xs)==1): embs = [gnn(x, ei)]; return stack(embs)
    n_nodes = x.shape[0]
    src = edge_index[0]
    dst = edge_index[1]
    h = _sage_conv(x, src, dst, W_l1, W_r1, b1, n_nodes)
    h = jax.nn.relu(h)  # dropout=0.2 is identity in eval mode
    h = _sage_conv(h, src, dst, W_l2, W_r2, b2, n_nodes)
    return jnp.stack([h])

if __name__ == "__main__":
    import jax
    _d = setup_inputs()
    print(jax.jit(kernel)(*tuple(_d.values())))

</pallas_src>

<mosaic_0001>
#map = affine_map<(d0, d1) -> (0, 0)>
#map1 = affine_map<(d0, d1) -> (0, 0, 0)>
module attributes {stable_mosaic.version = 14 : i64} {
  func.func @sc_kernel(%arg0: i32, %arg1: i32, %arg2: memref<10240x64xf32, #tpu.memory_space<hbm>>, %arg3: memref<32x80x128xi32, #tpu.memory_space<hbm>>, %arg4: memref<32x80x128xi32, #tpu.memory_space<hbm>>, %arg5: memref<10240x64xf32, #tpu.memory_space<hbm>>, %arg6: memref<2x10240x64xf32, #tpu.memory_space<hbm>>, %arg7: memref<80x128xi32, #tpu.memory_space<vmem>>, %arg8: memref<80x128xi32, #tpu.memory_space<vmem>>, %arg9: memref<128x64xf32, #tpu.memory_space<vmem>>, %arg10: memref<10240x64xf32, #tpu.memory_space<vmem_shared>>, %arg11: memref<!tpu.dma_semaphore, #tpu.memory_space<semaphore_mem>>) attributes {dimension_semantics = [#tpu.dimension_semantics<core_parallel>, #tpu.dimension_semantics<subcore_parallel>], iteration_bounds = array<i64: 2, 16>, scalar_prefetch = 0 : i64, scratch_operands = 5 : i64, tpu.core_type = #tpu.core_type<sc_vector_subcore>, window_params = [{transform_indices = #map}, {transform_indices = #map1}, {transform_indices = #map1}, {transform_indices = #map}, {transform_indices = #map1}]} {
    %mul3A = arith.constant 16 : i32
    %mul3A_0 = arith.muli %arg0, %mul3A : i32
    %add3A = arith.addi %mul3A_0, %arg1 : i32
    %mul3A_1 = arith.constant 640 : i32
    %mul3A_2 = arith.muli %arg1, %mul3A_1 : i32
    "tpu.region"() ({
      %run_scoped3A = tpu.sem_alloc : memref<!tpu.dma_semaphore, #tpu.memory_space<semaphore_mem>>
      %dma_start3A = arith.constant 0 : i32
      %dma_start3A_9 = tpu.memref_slice %arg10[%mul3A_2, %dma_start3A] : memref<10240x64xf32, #tpu.memory_space<vmem_shared>> -> memref<640x64xf32, #tpu.memory_space<vmem_shared>>
      %dma_start3A_10 = arith.constant 0 : i32
      %dma_start3A_11 = tpu.memref_slice %arg5[%mul3A_2, %dma_start3A_10] : memref<10240x64xf32, #tpu.memory_space<hbm>> -> memref<640x64xf32, #tpu.memory_space<hbm>>
      tpu.enqueue_dma source(%dma_start3A_11 : memref<640x64xf32, #tpu.memory_space<hbm>>) target(%dma_start3A_9 : memref<640x64xf32, #tpu.memory_space<vmem_shared>>) target_semaphore(%run_scoped3A : memref<!tpu.dma_semaphore, #tpu.memory_space<semaphore_mem>>)
      %dma_wait3A = arith.constant 0 : i32
      %dma_wait3A_12 = tpu.memref_slice %arg10[%mul3A_2, %dma_wait3A] : memref<10240x64xf32, #tpu.memory_space<vmem_shared>> -> memref<640x64xf32, #tpu.memory_space<vmem_shared>>
      %dma_wait3A_13 = arith.constant 0 : i32
      %dma_wait3A_14 = tpu.memref_slice %arg5[%mul3A_2, %dma_wait3A_13] : memref<10240x64xf32, #tpu.memory_space<hbm>> -> memref<640x64xf32, #tpu.memory_space<hbm>>
      tpu.wait_dma2 semaphore(%run_scoped3A : memref<!tpu.dma_semaphore, #tpu.memory_space<semaphore_mem>>) src(%dma_wait3A_14 : memref<640x64xf32, #tpu.memory_space<hbm>>) dst(%dma_wait3A_12 : memref<640x64xf32, #tpu.memory_space<vmem_shared>>)
      tpu.yield
    }) : () -> ()
    "tpu.region"() ({
      %run_scoped3A = tpu.sem_alloc : memref<!tpu.dma_semaphore, #tpu.memory_space<semaphore_mem>>
      %dma_start3A = arith.constant 0 : i32
      %dma_start3A_9 = arith.constant 0 : i32
      %dma_start3A_10 = tpu.memref_slice %arg3[%add3A, %dma_start3A, %dma_start3A_9] : memref<32x80x128xi32, #tpu.memory_space<hbm>> -> memref<1x80x128xi32, #tpu.memory_space<hbm>>
      %dma_start3A_11 = tpu.memref_squeeze %dma_start3A_10 : memref<1x80x128xi32, #tpu.memory_space<hbm>> -> memref<80x128xi32, #tpu.memory_space<hbm>>
      %dma_start3A_12 = arith.constant 0 : i32
      %dma_start3A_13 = arith.constant 0 : i32
      %dma_start3A_14 = tpu.memref_slice %arg3[%add3A, %dma_start3A_12, %dma_start3A_13] : memref<32x80x128xi32, #tpu.memory_space<hbm>> -> memref<1x80x128xi32, #tpu.memory_space<hbm>>
      %dma_start3A_15 = tpu.memref_squeeze %dma_start3A_14 : memref<1x80x128xi32, #tpu.memory_space<hbm>> -> memref<80x128xi32, #tpu.memory_space<hbm>>
      tpu.enqueue_dma source(%dma_start3A_15 : memref<80x128xi32, #tpu.memory_space<hbm>>) target(%arg7 : memref<80x128xi32, #tpu.memory_space<vmem>>) target_semaphore(%run_scoped3A : memref<!tpu.dma_semaphore, #tpu.memory_space<semaphore_mem>>)
      %dma_wait3A = arith.constant 0 : i32
      %dma_wait3A_16 = arith.constant 0 : i32
      %dma_wait3A_17 = tpu.memref_slice %arg3[%add3A, %dma_wait3A, %dma_wait3A_16] : memref<32x80x128xi32, #tpu.memory_space<hbm>> -> memref<1x80x128xi32, #tpu.memory_space<hbm>>
      %dma_wait3A_18 = tpu.memref_squeeze %dma_wait3A_17 : memref<1x80x128xi32, #tpu.memory_space<hbm>> -> memref<80x128xi32, #tpu.memory_space<hbm>>
      %dma_wait3A_19 = arith.constant 0 : i32
      %dma_wait3A_20 = arith.constant 0 : i32
      %dma_wait3A_21 = tpu.memref_slice %arg3[%add3A, %dma_wait3A_19, %dma_wait3A_20] : memref<32x80x128xi32, #tpu.memory_space<hbm>> -> memref<1x80x128xi32, #tpu.memory_space<hbm>>
      %dma_wait3A_22 = tpu.memref_squeeze %dma_wait3A_21 : memref<1x80x128xi32, #tpu.memory_space<hbm>> -> memref<80x128xi32, #tpu.memory_space<hbm>>
      tpu.wait_dma2 semaphore(%run_scoped3A : memref<!tpu.dma_semaphore, #tpu.memory_space<semaphore_mem>>) src(%dma_wait3A_22 : memref<80x128xi32, #tpu.memory_space<hbm>>) dst(%arg7 : memref<80x128xi32, #tpu.memory_space<vmem>>)
      tpu.yield
    }) : () -> ()
    "tpu.region"() ({
      %run_scoped3A = tpu.sem_alloc : memref<!tpu.dma_semaphore, #tpu.memory_space<semaphore_mem>>
      %dma_start3A = arith.constant 0 : i32
      %dma_start3A_9 = arith.constant 0 : i32
      %dma_start3A_10 = tpu.memref_slice %arg4[%add3A, %dma_start3A, %dma_start3A_9] : memref<32x80x128xi32, #tpu.memory_space<hbm>> -> memref<1x80x128xi32, #tpu.memory_space<hbm>>
      %dma_start3A_11 = tpu.memref_squeeze %dma_start3A_10 : memref<1x80x128xi32, #tpu.memory_space<hbm>> -> memref<80x128xi32, #tpu.memory_space<hbm>>
      %dma_start3A_12 = arith.constant 0 : i32
      %dma_start3A_13 = arith.constant 0 : i32
      %dma_start3A_14 = tpu.memref_slice %arg4[%add3A, %dma_start3A_12, %dma_start3A_13] : memref<32x80x128xi32, #tpu.memory_space<hbm>> -> memref<1x80x128xi32, #tpu.memory_space<hbm>>
      %dma_start3A_15 = tpu.memref_squeeze %dma_start3A_14 : memref<1x80x128xi32, #tpu.memory_space<hbm>> -> memref<80x128xi32, #tpu.memory_space<hbm>>
      tpu.enqueue_dma source(%dma_start3A_15 : memref<80x128xi32, #tpu.memory_space<hbm>>) target(%arg8 : memref<80x128xi32, #tpu.memory_space<vmem>>) target_semaphore(%run_scoped3A : memref<!tpu.dma_semaphore, #tpu.memory_space<semaphore_mem>>)
      %dma_wait3A = arith.constant 0 : i32
      %dma_wait3A_16 = arith.constant 0 : i32
      %dma_wait3A_17 = tpu.memref_slice %arg4[%add3A, %dma_wait3A, %dma_wait3A_16] : memref<32x80x128xi32, #tpu.memory_space<hbm>> -> memref<1x80x128xi32, #tpu.memory_space<hbm>>
      %dma_wait3A_18 = tpu.memref_squeeze %dma_wait3A_17 : memref<1x80x128xi32, #tpu.memory_space<hbm>> -> memref<80x128xi32, #tpu.memory_space<hbm>>
      %dma_wait3A_19 = arith.constant 0 : i32
      %dma_wait3A_20 = arith.constant 0 : i32
      %dma_wait3A_21 = tpu.memref_slice %arg4[%add3A, %dma_wait3A_19, %dma_wait3A_20] : memref<32x80x128xi32, #tpu.memory_space<hbm>> -> memref<1x80x128xi32, #tpu.memory_space<hbm>>
      %dma_wait3A_22 = tpu.memref_squeeze %dma_wait3A_21 : memref<1x80x128xi32, #tpu.memory_space<hbm>> -> memref<80x128xi32, #tpu.memory_space<hbm>>
      tpu.wait_dma2 semaphore(%run_scoped3A : memref<!tpu.dma_semaphore, #tpu.memory_space<semaphore_mem>>) src(%dma_wait3A_22 : memref<80x128xi32, #tpu.memory_space<hbm>>) dst(%arg8 : memref<80x128xi32, #tpu.memory_space<vmem>>)
      tpu.yield
    }) : () -> ()
    %barrier3A = arith.constant 0 : index
    tpu.barrier barrier_id(%barrier3A)
    %scan3A = arith.constant 0 : i32
    %scan3A_3 = arith.constant 0 : i32
    %scan3A_4 = arith.constant 80 : i32
    %scan3A_5 = arith.addi %scan3A_3, %scan3A_4 : i32
    %scan3A_6 = arith.constant 1 : i32
    scf.for %scan3A_9 = %scan3A_3 to %scan3A_5 step %scan3A_6  : i32 {
      %dma_start3A = arith.constant 0 : i32
      %dma_start3A_10 = tpu.memref_slice %arg7[%scan3A_9, %dma_start3A] : memref<80x128xi32, #tpu.memory_space<vmem>> -> memref<1x128xi32, #tpu.memory_space<vmem>>
      %dma_start3A_11 = tpu.memref_squeeze %dma_start3A_10 : memref<1x128xi32, #tpu.memory_space<vmem>> -> memref<128xi32, #tpu.memory_space<vmem>>
      %dma_start3A_12 = arith.constant 0 : i32
      %dma_start3A_13 = arith.constant 0 : i32
      %dma_start3A_14 = tpu.memref_slice %arg2[%dma_start3A_12, %dma_start3A_13] : memref<10240x64xf32, #tpu.memory_space<hbm>> -> memref<10240x64xf32, #tpu.memory_space<hbm>>
      tpu.enqueue_indirect_dma source(%dma_start3A_14 : memref<10240x64xf32, #tpu.memory_space<hbm>>) target(%arg9 : memref<128x64xf32, #tpu.memory_space<vmem>>) offsets(%dma_start3A_11 : memref<128xi32, #tpu.memory_space<vmem>>) semaphore(%arg11 : memref<!tpu.dma_semaphore, #tpu.memory_space<semaphore_mem>>)
      %dma_wait3A = arith.constant 0 : i32
      %dma_wait3A_15 = tpu.memref_slice %arg7[%scan3A_9, %dma_wait3A] : memref<80x128xi32, #tpu.memory_space<vmem>> -> memref<1x128xi32, #tpu.memory_space<vmem>>
      %dma_wait3A_16 = tpu.memref_squeeze %dma_wait3A_15 : memref<1x128xi32, #tpu.memory_space<vmem>> -> memref<128xi32, #tpu.memory_space<vmem>>
      %dma_wait3A_17 = arith.constant 0 : i32
      %dma_wait3A_18 = arith.constant 0 : i32
      %dma_wait3A_19 = tpu.memref_slice %arg2[%dma_wait3A_17, %dma_wait3A_18] : memref<10240x64xf32, #tpu.memory_space<hbm>> -> memref<10240x64xf32, #tpu.memory_space<hbm>>
      tpu.wait_indirect_dma semaphore(%arg11 : memref<!tpu.dma_semaphore, #tpu.memory_space<semaphore_mem>>) src(%dma_wait3A_19 : memref<10240x64xf32, #tpu.memory_space<hbm>>) dst(%arg9 : memref<128x64xf32, #tpu.memory_space<vmem>>)
      "tpu.region"() ({
        %run_scoped3A = tpu.sem_alloc : memref<!tpu.dma_semaphore, #tpu.memory_space<semaphore_mem>>
        %dma_start3A_20 = arith.constant 0 : i32
        %dma_start3A_21 = tpu.memref_slice %arg8[%scan3A_9, %dma_start3A_20] : memref<80x128xi32, #tpu.memory_space<vmem>> -> memref<1x128xi32, #tpu.memory_space<vmem>>
        %dma_start3A_22 = tpu.memref_squeeze %dma_start3A_21 : memref<1x128xi32, #tpu.memory_space<vmem>> -> memref<128xi32, #tpu.memory_space<vmem>>
        %dma_start3A_23 = arith.constant 0 : i32
        %dma_start3A_24 = arith.constant 0 : i32
        %dma_start3A_25 = tpu.memref_slice %arg10[%dma_start3A_23, %dma_start3A_24] : memref<10240x64xf32, #tpu.memory_space<vmem_shared>> -> memref<10240x64xf32, #tpu.memory_space<vmem_shared>>
        tpu.enqueue_indirect_dma source(%arg9 : memref<128x64xf32, #tpu.memory_space<vmem>>) target(%dma_start3A_25 : memref<10240x64xf32, #tpu.memory_space<vmem_shared>>) offsets(%dma_start3A_22 : memref<128xi32, #tpu.memory_space<vmem>>) semaphore(%run_scoped3A : memref<!tpu.dma_semaphore, #tpu.memory_space<semaphore_mem>>) {add = true}
        %dma_wait3A_26 = arith.constant 0 : i32
        %dma_wait3A_27 = tpu.memref_slice %arg8[%scan3A_9, %dma_wait3A_26] : memref<80x128xi32, #tpu.memory_space<vmem>> -> memref<1x128xi32, #tpu.memory_space<vmem>>
        %dma_wait3A_28 = tpu.memref_squeeze %dma_wait3A_27 : memref<1x128xi32, #tpu.memory_space<vmem>> -> memref<128xi32, #tpu.memory_space<vmem>>
        %dma_wait3A_29 = arith.constant 0 : i32
        %dma_wait3A_30 = arith.constant 0 : i32
        %dma_wait3A_31 = tpu.memref_slice %arg10[%dma_wait3A_29, %dma_wait3A_30] : memref<10240x64xf32, #tpu.memory_space<vmem_shared>> -> memref<10240x64xf32, #tpu.memory_space<vmem_shared>>
        tpu.wait_indirect_dma semaphore(%run_scoped3A : memref<!tpu.dma_semaphore, #tpu.memory_space<semaphore_mem>>) src(%arg9 : memref<128x64xf32, #tpu.memory_space<vmem>>) dst(%dma_wait3A_31 : memref<10240x64xf32, #tpu.memory_space<vmem_shared>>)
        tpu.yield
      }) : () -> ()
    }
    %scan3A_7 = arith.constant 80 : i32
    %barrier3A_8 = arith.constant 0 : index
    tpu.barrier barrier_id(%barrier3A_8)
    "tpu.region"() ({
      %run_scoped3A = tpu.sem_alloc : memref<!tpu.dma_semaphore, #tpu.memory_space<semaphore_mem>>
      %dma_start3A = arith.constant 0 : i32
      %dma_start3A_9 = tpu.memref_slice %arg6[%arg0, %mul3A_2, %dma_start3A] : memref<2x10240x64xf32, #tpu.memory_space<hbm>> -> memref<1x640x64xf32, #tpu.memory_space<hbm>>
      %dma_start3A_10 = tpu.memref_squeeze %dma_start3A_9 : memref<1x640x64xf32, #tpu.memory_space<hbm>> -> memref<640x64xf32, #tpu.memory_space<hbm>>
      %dma_start3A_11 = arith.constant 0 : i32
      %dma_start3A_12 = tpu.memref_slice %arg10[%mul3A_2, %dma_start3A_11] : memref<10240x64xf32, #tpu.memory_space<vmem_shared>> -> memref<640x64xf32, #tpu.memory_space<vmem_shared>>
      tpu.enqueue_dma source(%dma_start3A_12 : memref<640x64xf32, #tpu.memory_space<vmem_shared>>) target(%dma_start3A_10 : memref<640x64xf32, #tpu.memory_space<hbm>>) target_semaphore(%run_scoped3A : memref<!tpu.dma_semaphore, #tpu.memory_space<semaphore_mem>>)
      %dma_wait3A = arith.constant 0 : i32
      %dma_wait3A_13 = tpu.memref_slice %arg6[%arg0, %mul3A_2, %dma_wait3A] : memref<2x10240x64xf32, #tpu.memory_space<hbm>> -> memref<1x640x64xf32, #tpu.memory_space<hbm>>
      %dma_wait3A_14 = tpu.memref_squeeze %dma_wait3A_13 : memref<1x640x64xf32, #tpu.memory_space<hbm>> -> memref<640x64xf32, #tpu.memory_space<hbm>>
      %dma_wait3A_15 = arith.constant 0 : i32
      %dma_wait3A_16 = tpu.memref_slice %arg10[%mul3A_2, %dma_wait3A_15] : memref<10240x64xf32, #tpu.memory_space<vmem_shared>> -> memref<640x64xf32, #tpu.memory_space<vmem_shared>>
      tpu.wait_dma2 semaphore(%run_scoped3A : memref<!tpu.dma_semaphore, #tpu.memory_space<semaphore_mem>>) src(%dma_wait3A_16 : memref<640x64xf32, #tpu.memory_space<vmem_shared>>) dst(%dma_wait3A_14 : memref<640x64xf32, #tpu.memory_space<hbm>>)
      tpu.yield
    }) : () -> ()
    return
  }
}

#map = affine_map<(d0, d1) -> (0, 0)>
#map1 = affine_map<(d0, d1) -> (0, 0, 0)>
module attributes {stable_mosaic.version = 14 : i64} {
  func.func @sc_kernel(%arg0: i32, %arg1: i32, %arg2: memref<10240x80xf32, #tpu.memory_space<hbm>>, %arg3: memref<32x80x128xi32, #tpu.memory_space<hbm>>, %arg4: memref<32x80x128xi32, #tpu.memory_space<hbm>>, %arg5: memref<10240x80xf32, #tpu.memory_space<hbm>>, %arg6: memref<2x10240x80xf32, #tpu.memory_space<hbm>>, %arg7: memref<80x128xi32, #tpu.memory_space<vmem>>, %arg8: memref<80x128xi32, #tpu.memory_space<vmem>>, %arg9: memref<128x80xf32, #tpu.memory_space<vmem>>, %arg10: memref<10240x80xf32, #tpu.memory_space<vmem_shared>>, %arg11: memref<!tpu.dma_semaphore, #tpu.memory_space<semaphore_mem>>) attributes {dimension_semantics = [#tpu.dimension_semantics<core_parallel>, #tpu.dimension_semantics<subcore_parallel>], iteration_bounds = array<i64: 2, 16>, scalar_prefetch = 0 : i64, scratch_operands = 5 : i64, tpu.core_type = #tpu.core_type<sc_vector_subcore>, window_params = [{transform_indices = #map}, {transform_indices = #map1}, {transform_indices = #map1}, {transform_indices = #map}, {transform_indices = #map1}]} {
    %mul3A = arith.constant 16 : i32
    %mul3A_0 = arith.muli %arg0, %mul3A : i32
    %add3A = arith.addi %mul3A_0, %arg1 : i32
    %mul3A_1 = arith.constant 640 : i32
    %mul3A_2 = arith.muli %arg1, %mul3A_1 : i32
    "tpu.region"() ({
      %run_scoped3A = tpu.sem_alloc : memref<!tpu.dma_semaphore, #tpu.memory_space<semaphore_mem>>
      %dma_start3A = arith.constant 0 : i32
      %dma_start3A_9 = tpu.memref_slice %arg10[%mul3A_2, %dma_start3A] : memref<10240x80xf32, #tpu.memory_space<vmem_shared>> -> memref<640x80xf32, #tpu.memory_space<vmem_shared>>
      %dma_start3A_10 = arith.constant 0 : i32
      %dma_start3A_11 = tpu.memref_slice %arg5[%mul3A_2, %dma_start3A_10] : memref<10240x80xf32, #tpu.memory_space<hbm>> -> memref<640x80xf32, #tpu.memory_space<hbm>>
      tpu.enqueue_dma source(%dma_start3A_11 : memref<640x80xf32, #tpu.memory_space<hbm>>) target(%dma_start3A_9 : memref<640x80xf32, #tpu.memory_space<vmem_shared>>) target_semaphore(%run_scoped3A : memref<!tpu.dma_semaphore, #tpu.memory_space<semaphore_mem>>)
      %dma_wait3A = arith.constant 0 : i32
      %dma_wait3A_12 = tpu.memref_slice %arg10[%mul3A_2, %dma_wait3A] : memref<10240x80xf32, #tpu.memory_space<vmem_shared>> -> memref<640x80xf32, #tpu.memory_space<vmem_shared>>
      %dma_wait3A_13 = arith.constant 0 : i32
      %dma_wait3A_14 = tpu.memref_slice %arg5[%mul3A_2, %dma_wait3A_13] : memref<10240x80xf32, #tpu.memory_space<hbm>> -> memref<640x80xf32, #tpu.memory_space<hbm>>
      tpu.wait_dma2 semaphore(%run_scoped3A : memref<!tpu.dma_semaphore, #tpu.memory_space<semaphore_mem>>) src(%dma_wait3A_14 : memref<640x80xf32, #tpu.memory_space<hbm>>) dst(%dma_wait3A_12 : memref<640x80xf32, #tpu.memory_space<vmem_shared>>)
      tpu.yield
    }) : () -> ()
    "tpu.region"() ({
      %run_scoped3A = tpu.sem_alloc : memref<!tpu.dma_semaphore, #tpu.memory_space<semaphore_mem>>
      %dma_start3A = arith.constant 0 : i32
      %dma_start3A_9 = arith.constant 0 : i32
      %dma_start3A_10 = tpu.memref_slice %arg3[%add3A, %dma_start3A, %dma_start3A_9] : memref<32x80x128xi32, #tpu.memory_space<hbm>> -> memref<1x80x128xi32, #tpu.memory_space<hbm>>
      %dma_start3A_11 = tpu.memref_squeeze %dma_start3A_10 : memref<1x80x128xi32, #tpu.memory_space<hbm>> -> memref<80x128xi32, #tpu.memory_space<hbm>>
      %dma_start3A_12 = arith.constant 0 : i32
      %dma_start3A_13 = arith.constant 0 : i32
      %dma_start3A_14 = tpu.memref_slice %arg3[%add3A, %dma_start3A_12, %dma_start3A_13] : memref<32x80x128xi32, #tpu.memory_space<hbm>> -> memref<1x80x128xi32, #tpu.memory_space<hbm>>
      %dma_start3A_15 = tpu.memref_squeeze %dma_start3A_14 : memref<1x80x128xi32, #tpu.memory_space<hbm>> -> memref<80x128xi32, #tpu.memory_space<hbm>>
      tpu.enqueue_dma source(%dma_start3A_15 : memref<80x128xi32, #tpu.memory_space<hbm>>) target(%arg7 : memref<80x128xi32, #tpu.memory_space<vmem>>) target_semaphore(%run_scoped3A : memref<!tpu.dma_semaphore, #tpu.memory_space<semaphore_mem>>)
      %dma_wait3A = arith.constant 0 : i32
      %dma_wait3A_16 = arith.constant 0 : i32
      %dma_wait3A_17 = tpu.memref_slice %arg3[%add3A, %dma_wait3A, %dma_wait3A_16] : memref<32x80x128xi32, #tpu.memory_space<hbm>> -> memref<1x80x128xi32, #tpu.memory_space<hbm>>
      %dma_wait3A_18 = tpu.memref_squeeze %dma_wait3A_17 : memref<1x80x128xi32, #tpu.memory_space<hbm>> -> memref<80x128xi32, #tpu.memory_space<hbm>>
      %dma_wait3A_19 = arith.constant 0 : i32
      %dma_wait3A_20 = arith.constant 0 : i32
      %dma_wait3A_21 = tpu.memref_slice %arg3[%add3A, %dma_wait3A_19, %dma_wait3A_20] : memref<32x80x128xi32, #tpu.memory_space<hbm>> -> memref<1x80x128xi32, #tpu.memory_space<hbm>>
      %dma_wait3A_22 = tpu.memref_squeeze %dma_wait3A_21 : memref<1x80x128xi32, #tpu.memory_space<hbm>> -> memref<80x128xi32, #tpu.memory_space<hbm>>
      tpu.wait_dma2 semaphore(%run_scoped3A : memref<!tpu.dma_semaphore, #tpu.memory_space<semaphore_mem>>) src(%dma_wait3A_22 : memref<80x128xi32, #tpu.memory_space<hbm>>) dst(%arg7 : memref<80x128xi32, #tpu.memory_space<vmem>>)
      tpu.yield
    }) : () -> ()
    "tpu.region"() ({
      %run_scoped3A = tpu.sem_alloc : memref<!tpu.dma_semaphore, #tpu.memory_space<semaphore_mem>>
      %dma_start3A = arith.constant 0 : i32
      %dma_start3A_9 = arith.constant 0 : i32
      %dma_start3A_10 = tpu.memref_slice %arg4[%add3A, %dma_start3A, %dma_start3A_9] : memref<32x80x128xi32, #tpu.memory_space<hbm>> -> memref<1x80x128xi32, #tpu.memory_space<hbm>>
      %dma_start3A_11 = tpu.memref_squeeze %dma_start3A_10 : memref<1x80x128xi32, #tpu.memory_space<hbm>> -> memref<80x128xi32, #tpu.memory_space<hbm>>
      %dma_start3A_12 = arith.constant 0 : i32
      %dma_start3A_13 = arith.constant 0 : i32
      %dma_start3A_14 = tpu.memref_slice %arg4[%add3A, %dma_start3A_12, %dma_start3A_13] : memref<32x80x128xi32, #tpu.memory_space<hbm>> -> memref<1x80x128xi32, #tpu.memory_space<hbm>>
      %dma_start3A_15 = tpu.memref_squeeze %dma_start3A_14 : memref<1x80x128xi32, #tpu.memory_space<hbm>> -> memref<80x128xi32, #tpu.memory_space<hbm>>
      tpu.enqueue_dma source(%dma_start3A_15 : memref<80x128xi32, #tpu.memory_space<hbm>>) target(%arg8 : memref<80x128xi32, #tpu.memory_space<vmem>>) target_semaphore(%run_scoped3A : memref<!tpu.dma_semaphore, #tpu.memory_space<semaphore_mem>>)
      %dma_wait3A = arith.constant 0 : i32
      %dma_wait3A_16 = arith.constant 0 : i32
      %dma_wait3A_17 = tpu.memref_slice %arg4[%add3A, %dma_wait3A, %dma_wait3A_16] : memref<32x80x128xi32, #tpu.memory_space<hbm>> -> memref<1x80x128xi32, #tpu.memory_space<hbm>>
      %dma_wait3A_18 = tpu.memref_squeeze %dma_wait3A_17 : memref<1x80x128xi32, #tpu.memory_space<hbm>> -> memref<80x128xi32, #tpu.memory_space<hbm>>
      %dma_wait3A_19 = arith.constant 0 : i32
      %dma_wait3A_20 = arith.constant 0 : i32
      %dma_wait3A_21 = tpu.memref_slice %arg4[%add3A, %dma_wait3A_19, %dma_wait3A_20] : memref<32x80x128xi32, #tpu.memory_space<hbm>> -> memref<1x80x128xi32, #tpu.memory_space<hbm>>
      %dma_wait3A_22 = tpu.memref_squeeze %dma_wait3A_21 : memref<1x80x128xi32, #tpu.memory_space<hbm>> -> memref<80x128xi32, #tpu.memory_space<hbm>>
      tpu.wait_dma2 semaphore(%run_scoped3A : memref<!tpu.dma_semaphore, #tpu.memory_space<semaphore_mem>>) src(%dma_wait3A_22 : memref<80x128xi32, #tpu.memory_space<hbm>>) dst(%arg8 : memref<80x128xi32, #tpu.memory_space<vmem>>)
      tpu.yield
    }) : () -> ()
    %barrier3A = arith.constant 0 : index
    tpu.barrier barrier_id(%barrier3A)
    %scan3A = arith.constant 0 : i32
    %scan3A_3 = arith.constant 0 : i32
    %scan3A_4 = arith.constant 80 : i32
    %scan3A_5 = arith.addi %scan3A_3, %scan3A_4 : i32
    %scan3A_6 = arith.constant 1 : i32
    scf.for %scan3A_9 = %scan3A_3 to %scan3A_5 step %scan3A_6  : i32 {
      %dma_start3A = arith.constant 0 : i32
      %dma_start3A_10 = tpu.memref_slice %arg7[%scan3A_9, %dma_start3A] : memref<80x128xi32, #tpu.memory_space<vmem>> -> memref<1x128xi32, #tpu.memory_space<vmem>>
      %dma_start3A_11 = tpu.memref_squeeze %dma_start3A_10 : memref<1x128xi32, #tpu.memory_space<vmem>> -> memref<128xi32, #tpu.memory_space<vmem>>
      %dma_start3A_12 = arith.constant 0 : i32
      %dma_start3A_13 = arith.constant 0 : i32
      %dma_start3A_14 = tpu.memref_slice %arg2[%dma_start3A_12, %dma_start3A_13] : memref<10240x80xf32, #tpu.memory_space<hbm>> -> memref<10240x80xf32, #tpu.memory_space<hbm>>
      tpu.enqueue_indirect_dma source(%dma_start3A_14 : memref<10240x80xf32, #tpu.memory_space<hbm>>) target(%arg9 : memref<128x80xf32, #tpu.memory_space<vmem>>) offsets(%dma_start3A_11 : memref<128xi32, #tpu.memory_space<vmem>>) semaphore(%arg11 : memref<!tpu.dma_semaphore, #tpu.memory_space<semaphore_mem>>)
      %dma_wait3A = arith.constant 0 : i32
      %dma_wait3A_15 = tpu.memref_slice %arg7[%scan3A_9, %dma_wait3A] : memref<80x128xi32, #tpu.memory_space<vmem>> -> memref<1x128xi32, #tpu.memory_space<vmem>>
      %dma_wait3A_16 = tpu.memref_squeeze %dma_wait3A_15 : memref<1x128xi32, #tpu.memory_space<vmem>> -> memref<128xi32, #tpu.memory_space<vmem>>
      %dma_wait3A_17 = arith.constant 0 : i32
      %dma_wait3A_18 = arith.constant 0 : i32
      %dma_wait3A_19 = tpu.memref_slice %arg2[%dma_wait3A_17, %dma_wait3A_18] : memref<10240x80xf32, #tpu.memory_space<hbm>> -> memref<10240x80xf32, #tpu.memory_space<hbm>>
      tpu.wait_indirect_dma semaphore(%arg11 : memref<!tpu.dma_semaphore, #tpu.memory_space<semaphore_mem>>) src(%dma_wait3A_19 : memref<10240x80xf32, #tpu.memory_space<hbm>>) dst(%arg9 : memref<128x80xf32, #tpu.memory_space<vmem>>)
      "tpu.region"() ({
        %run_scoped3A = tpu.sem_alloc : memref<!tpu.dma_semaphore, #tpu.memory_space<semaphore_mem>>
        %dma_start3A_20 = arith.constant 0 : i32
        %dma_start3A_21 = tpu.memref_slice %arg8[%scan3A_9, %dma_start3A_20] : memref<80x128xi32, #tpu.memory_space<vmem>> -> memref<1x128xi32, #tpu.memory_space<vmem>>
        %dma_start3A_22 = tpu.memref_squeeze %dma_start3A_21 : memref<1x128xi32, #tpu.memory_space<vmem>> -> memref<128xi32, #tpu.memory_space<vmem>>
        %dma_start3A_23 = arith.constant 0 : i32
        %dma_start3A_24 = arith.constant 0 : i32
        %dma_start3A_25 = tpu.memref_slice %arg10[%dma_start3A_23, %dma_start3A_24] : memref<10240x80xf32, #tpu.memory_space<vmem_shared>> -> memref<10240x80xf32, #tpu.memory_space<vmem_shared>>
        tpu.enqueue_indirect_dma source(%arg9 : memref<128x80xf32, #tpu.memory_space<vmem>>) target(%dma_start3A_25 : memref<10240x80xf32, #tpu.memory_space<vmem_shared>>) offsets(%dma_start3A_22 : memref<128xi32, #tpu.memory_space<vmem>>) semaphore(%run_scoped3A : memref<!tpu.dma_semaphore, #tpu.memory_space<semaphore_mem>>) {add = true}
        %dma_wait3A_26 = arith.constant 0 : i32
        %dma_wait3A_27 = tpu.memref_slice %arg8[%scan3A_9, %dma_wait3A_26] : memref<80x128xi32, #tpu.memory_space<vmem>> -> memref<1x128xi32, #tpu.memory_space<vmem>>
        %dma_wait3A_28 = tpu.memref_squeeze %dma_wait3A_27 : memref<1x128xi32, #tpu.memory_space<vmem>> -> memref<128xi32, #tpu.memory_space<vmem>>
        %dma_wait3A_29 = arith.constant 0 : i32
        %dma_wait3A_30 = arith.constant 0 : i32
        %dma_wait3A_31 = tpu.memref_slice %arg10[%dma_wait3A_29, %dma_wait3A_30] : memref<10240x80xf32, #tpu.memory_space<vmem_shared>> -> memref<10240x80xf32, #tpu.memory_space<vmem_shared>>
        tpu.wait_indirect_dma semaphore(%run_scoped3A : memref<!tpu.dma_semaphore, #tpu.memory_space<semaphore_mem>>) src(%arg9 : memref<128x80xf32, #tpu.memory_space<vmem>>) dst(%dma_wait3A_31 : memref<10240x80xf32, #tpu.memory_space<vmem_shared>>)
        tpu.yield
      }) : () -> ()
    }
    %scan3A_7 = arith.constant 80 : i32
    %barrier3A_8 = arith.constant 0 : index
    tpu.barrier barrier_id(%barrier3A_8)
    "tpu.region"() ({
      %run_scoped3A = tpu.sem_alloc : memref<!tpu.dma_semaphore, #tpu.memory_space<semaphore_mem>>
      %dma_start3A = arith.constant 0 : i32
      %dma_start3A_9 = tpu.memref_slice %arg6[%arg0, %mul3A_2, %dma_start3A] : memref<2x10240x80xf32, #tpu.memory_space<hbm>> -> memref<1x640x80xf32, #tpu.memory_space<hbm>>
      %dma_start3A_10 = tpu.memref_squeeze %dma_start3A_9 : memref<1x640x80xf32, #tpu.memory_space<hbm>> -> memref<640x80xf32, #tpu.memory_space<hbm>>
      %dma_start3A_11 = arith.constant 0 : i32
      %dma_start3A_12 = tpu.memref_slice %arg10[%mul3A_2, %dma_start3A_11] : memref<10240x80xf32, #tpu.memory_space<vmem_shared>> -> memref<640x80xf32, #tpu.memory_space<vmem_shared>>
      tpu.enqueue_dma source(%dma_start3A_12 : memref<640x80xf32, #tpu.memory_space<vmem_shared>>) target(%dma_start3A_10 : memref<640x80xf32, #tpu.memory_space<hbm>>) target_semaphore(%run_scoped3A : memref<!tpu.dma_semaphore, #tpu.memory_space<semaphore_mem>>)
      %dma_wait3A = arith.constant 0 : i32
      %dma_wait3A_13 = tpu.memref_slice %arg6[%arg0, %mul3A_2, %dma_wait3A] : memref<2x10240x80xf32, #tpu.memory_space<hbm>> -> memref<1x640x80xf32, #tpu.memory_space<hbm>>
      %dma_wait3A_14 = tpu.memref_squeeze %dma_wait3A_13 : memref<1x640x80xf32, #tpu.memory_space<hbm>> -> memref<640x80xf32, #tpu.memory_space<hbm>>
      %dma_wait3A_15 = arith.constant 0 : i32
      %dma_wait3A_16 = tpu.memref_slice %arg10[%mul3A_2, %dma_wait3A_15] : memref<10240x80xf32, #tpu.memory_space<vmem_shared>> -> memref<640x80xf32, #tpu.memory_space<vmem_shared>>
      tpu.wait_dma2 semaphore(%run_scoped3A : memref<!tpu.dma_semaphore, #tpu.memory_space<semaphore_mem>>) src(%dma_wait3A_16 : memref<640x80xf32, #tpu.memory_space<vmem_shared>>) dst(%dma_wait3A_14 : memref<640x80xf32, #tpu.memory_space<hbm>>)
      tpu.yield
    }) : () -> ()
    return
  }
}

module attributes {stable_mosaic.version = 14 : i64} {
  func.func @body(%arg0: i32, %arg1: memref<1280x128xf32, #tpu.memory_space<vmem>>, %arg2: memref<128x64xf32, #tpu.memory_space<vmem>>, %arg3: memref<128x64xf32, #tpu.memory_space<vmem>>, %arg4: memref<1280x80xf32, #tpu.memory_space<vmem>>, %arg5: memref<1280x64xf32, #tpu.memory_space<vmem>>) attributes {dimension_semantics = [#tpu.dimension_semantics<arbitrary>], iteration_bounds = array<i64: 8>, scalar_prefetch = 0 : i64, scratch_operands = 0 : i64, tpu.core_type = #tpu.core_type<tc>, window_params = [{transform_indices = @transform_0, window_bounds = array<i64: 1280, 128>}, {pipeline_mode = #tpu.pipeline_mode<synchronous>, transform_indices = @transform_1, window_bounds = array<i64: 128, 64>}, {pipeline_mode = #tpu.pipeline_mode<synchronous>, transform_indices = @transform_2, window_bounds = array<i64: 128, 64>}, {transform_indices = @transform_3, window_bounds = array<i64: 1280, 80>}, {transform_indices = @transform_4, window_bounds = array<i64: 1280, 64>}]} {
    %get3A = arith.constant 0 : index
    %get3A_0 = arith.constant 0 : index
    %get3A_1 = vector.load %arg1[%get3A, %get3A_0] : memref<1280x128xf32, #tpu.memory_space<vmem>>, vector<1280x128xf32>
    %get3A_2 = arith.constant 0 : index
    %get3A_3 = arith.constant 0 : index
    %get3A_4 = vector.load %arg3[%get3A_2, %get3A_3] : memref<128x64xf32, #tpu.memory_space<vmem>>, vector<128x64xf32>
    %dot_general3A = arith.constant dense<0.000000e+00> : vector<1280x64xf32>
    %dot_general3A_5 = tpu.matmul %get3A_1, %get3A_4, %dot_general3A {dimension_numbers = #tpu.dot_dimension_numbers<[1], [0], [0], [1], [0, 0, 1, 1], [], []>, transpose_lhs_hint = false} : vector<1280x128xf32>, vector<128x64xf32>, vector<1280x64xf32> -> vector<1280x64xf32>
    %iota3A = tpu.iota {dimensions = array<i32: 1>} : vector<1280x16xi32>
    %eq3A = arith.constant 0 : i32
    %eq3A_6 = vector.broadcast %eq3A : i32 to vector<1280x16xi32>
    %eq3A_7 = arith.cmpi eq, %iota3A, %eq3A_6 : vector<1280x16xi32>
    %convert_element_type3A = arith.extui %eq3A_7 : vector<1280x16xi1> to vector<1280x16xi32>
    %convert_element_type3A_8 = arith.sitofp %convert_element_type3A : vector<1280x16xi32> to vector<1280x16xf32>
    %concatenate3A = tpu.concatenate %dot_general3A_5, %convert_element_type3A_8 in 1 : vector<1280x64xf32>, vector<1280x16xf32> -> vector<1280x80xf32>
    %swap3A = arith.constant 0 : index
    %swap3A_9 = arith.constant 0 : index
    %swap3A_10 = vector.load %arg4[%swap3A, %swap3A_9] : memref<1280x80xf32, #tpu.memory_space<vmem>>, vector<1280x80xf32>
    tpu.vector_store %arg4[%swap3A, %swap3A_9], %concatenate3A {strides = array<i32>} : memref<1280x80xf32, #tpu.memory_space<vmem>>, vector<1280x80xf32>,
    %get3A_11 = arith.constant 0 : index
    %get3A_12 = arith.constant 0 : index
    %get3A_13 = vector.load %arg2[%get3A_11, %get3A_12] : memref<128x64xf32, #tpu.memory_space<vmem>>, vector<128x64xf32>
    %dot_general3A_14 = arith.constant dense<0.000000e+00> : vector<1280x64xf32>
    %dot_general3A_15 = tpu.matmul %get3A_1, %get3A_13, %dot_general3A_14 {dimension_numbers = #tpu.dot_dimension_numbers<[1], [0], [0], [1], [0, 0, 1, 1], [], []>, transpose_lhs_hint = false} : vector<1280x128xf32>, vector<128x64xf32>, vector<1280x64xf32> -> vector<1280x64xf32>
    %swap3A_16 = arith.constant 0 : index
    %swap3A_17 = arith.constant 0 : index
    %swap3A_18 = vector.load %arg5[%swap3A_16, %swap3A_17] : memref<1280x64xf32, #tpu.memory_space<vmem>>, vector<1280x64xf32>
    tpu.vector_store %arg5[%swap3A_16, %swap3A_17], %dot_general3A_15 {strides = array<i32>} : memref<1280x64xf32, #tpu.memory_space<vmem>>, vector<1280x64xf32>,
    return
  }
  func.func @transform_0(%arg0: i32) -> (i32, i32) {
    %c0_i32 = arith.constant 0 : i32
    %c0_i32_0 = arith.constant 0 : i32
    return %arg0, %c0_i32 : i32, i32
  }
  func.func @transform_1(%arg0: i32) -> (i32, i32) {
    %c0_i32 = arith.constant 0 : i32
    %c0_i32_0 = arith.constant 0 : i32
    %c0_i32_1 = arith.constant 0 : i32
    return %c0_i32, %c0_i32_0 : i32, i32
  }
  func.func @transform_2(%arg0: i32) -> (i32, i32) {
    %c0_i32 = arith.constant 0 : i32
    %c0_i32_0 = arith.constant 0 : i32
    %c0_i32_1 = arith.constant 0 : i32
    return %c0_i32, %c0_i32_0 : i32, i32
  }
  func.func @transform_3(%arg0: i32) -> (i32, i32) {
    %c0_i32 = arith.constant 0 : i32
    %c0_i32_0 = arith.constant 0 : i32
    return %arg0, %c0_i32 : i32, i32
  }
  func.func @transform_4(%arg0: i32) -> (i32, i32) {
    %c0_i32 = arith.constant 0 : i32
    %c0_i32_0 = arith.constant 0 : i32
    return %arg0, %c0_i32 : i32, i32
  }
}

module attributes {stable_mosaic.version = 14 : i64} {
  func.func @body(%arg0: i32, %arg1: memref<1280x64xf32, #tpu.memory_space<vmem>>, %arg2: memref<2x1280x80xf32, #tpu.memory_space<vmem>>, %arg3: memref<1x64xf32, #tpu.memory_space<vmem>>, %arg4: memref<64x64xf32, #tpu.memory_space<vmem>>, %arg5: memref<64x64xf32, #tpu.memory_space<vmem>>, %arg6: memref<1280x64xf32, #tpu.memory_space<vmem>>, %arg7: memref<1280x64xf32, #tpu.memory_space<vmem>>, %arg8: memref<1280x64xf32, #tpu.memory_space<vmem>>) attributes {dimension_semantics = [#tpu.dimension_semantics<arbitrary>], iteration_bounds = array<i64: 8>, scalar_prefetch = 0 : i64, scratch_operands = 0 : i64, tpu.core_type = #tpu.core_type<tc>, window_params = [{transform_indices = @transform_0, window_bounds = array<i64: 1280, 64>}, {transform_indices = @transform_1, window_bounds = array<i64: 2, 1280, 80>}, {pipeline_mode = #tpu.pipeline_mode<synchronous>, transform_indices = @transform_2, window_bounds = array<i64: 1, 64>}, {pipeline_mode = #tpu.pipeline_mode<synchronous>, transform_indices = @transform_3, window_bounds = array<i64: 64, 64>}, {pipeline_mode = #tpu.pipeline_mode<synchronous>, transform_indices = @transform_4, window_bounds = array<i64: 64, 64>}, {transform_indices = @transform_5, window_bounds = array<i64: 1280, 64>}, {transform_indices = @transform_6, window_bounds = array<i64: 1280, 64>}, {transform_indices = @transform_7, window_bounds = array<i64: 1280, 64>}]} {
    %get3A = arith.constant 0 : index
    %get3A_0 = arith.constant 0 : index
    %get3A_1 = arith.constant 0 : index
    %get3A_2 = vector.load %arg2[%get3A, %get3A_0, %get3A_1] : memref<2x1280x80xf32, #tpu.memory_space<vmem>>, vector<1x1280x80xf32>
    %get3A_3 = vector.shape_cast %get3A_2 : vector<1x1280x80xf32> to vector<1280x80xf32>
    %get3A_4 = arith.constant 1 : index
    %get3A_5 = arith.constant 0 : index
    %get3A_6 = arith.constant 0 : index
    %get3A_7 = vector.load %arg2[%get3A_4, %get3A_5, %get3A_6] : memref<2x1280x80xf32, #tpu.memory_space<vmem>>, vector<1x1280x80xf32>
    %get3A_8 = vector.shape_cast %get3A_7 : vector<1x1280x80xf32> to vector<1280x80xf32>
    %add3A = arith.addf %get3A_3, %get3A_8 : vector<1280x80xf32>
    %slice3A = vector.extract_strided_slice %add3A {offsets = [0, 0], sizes = [1280, 64], strides = [1, 1]} : vector<1280x80xf32> to vector<1280x64xf32>
    %slice3A_9 = vector.extract_strided_slice %add3A {offsets = [0, 64], sizes = [1280, 1], strides = [1, 1]} : vector<1280x80xf32> to vector<1280x1xf32>
    %max3A = arith.constant 1.000000e+00 : f32
    %max3A_10 = vector.broadcast %max3A : f32 to vector<1280x1xf32>
    %max3A_11 = arith.maximumf %slice3A_9, %max3A_10 : vector<1280x1xf32>
    %get3A_12 = arith.constant 0 : index
    %get3A_13 = arith.constant 0 : index
    %get3A_14 = vector.load %arg1[%get3A_12, %get3A_13] : memref<1280x64xf32, #tpu.memory_space<vmem>>, vector<1280x64xf32>
    %div3A = vector.broadcast %max3A_11 : vector<1280x1xf32> to vector<1280x64xf32>
    %div3A_15 = arith.divf %slice3A, %div3A : vector<1280x64xf32>
    %add3A_16 = arith.addf %get3A_14, %div3A_15 : vector<1280x64xf32>
    %get3A_17 = arith.constant 0 : index
    %get3A_18 = arith.constant 0 : index
    %get3A_19 = vector.load %arg3[%get3A_17, %get3A_18] : memref<1x64xf32, #tpu.memory_space<vmem>>, vector<1x64xf32>
    %add3A_20 = vector.broadcast %get3A_19 : vector<1x64xf32> to vector<1280x64xf32>
    %add3A_21 = arith.addf %add3A_16, %add3A_20 : vector<1280x64xf32>
    %max3A_22 = arith.constant 0.000000e+00 : f32
    %max3A_23 = vector.broadcast %max3A_22 : f32 to vector<1280x64xf32>
    %max3A_24 = arith.maximumf %add3A_21, %max3A_23 : vector<1280x64xf32>
    %get3A_25 = arith.constant 0 : index
    %get3A_26 = arith.constant 0 : index
    %get3A_27 = vector.load %arg5[%get3A_25, %get3A_26] : memref<64x64xf32, #tpu.memory_space<vmem>>, vector<64x64xf32>
    %dot_general3A = arith.constant dense<0.000000e+00> : vector<1280x64xf32>
    %dot_general3A_28 = tpu.matmul %max3A_24, %get3A_27, %dot_general3A {dimension_numbers = #tpu.dot_dimension_numbers<[1], [0], [0], [1], [0, 0, 1, 1], [], []>, transpose_lhs_hint = false} : vector<1280x64xf32>, vector<64x64xf32>, vector<1280x64xf32> -> vector<1280x64xf32>
    %swap3A = arith.constant 0 : index
    %swap3A_29 = arith.constant 0 : index
    %swap3A_30 = vector.load %arg6[%swap3A, %swap3A_29] : memref<1280x64xf32, #tpu.memory_space<vmem>>, vector<1280x64xf32>
    tpu.vector_store %arg6[%swap3A, %swap3A_29], %dot_general3A_28 {strides = array<i32>} : memref<1280x64xf32, #tpu.memory_space<vmem>>, vector<1280x64xf32>,
    %get3A_31 = arith.constant 0 : index
    %get3A_32 = arith.constant 0 : index
    %get3A_33 = vector.load %arg4[%get3A_31, %get3A_32] : memref<64x64xf32, #tpu.memory_space<vmem>>, vector<64x64xf32>
    %dot_general3A_34 = arith.constant dense<0.000000e+00> : vector<1280x64xf32>
    %dot_general3A_35 = tpu.matmul %max3A_24, %get3A_33, %dot_general3A_34 {dimension_numbers = #tpu.dot_dimension_numbers<[1], [0], [0], [1], [0, 0, 1, 1], [], []>, transpose_lhs_hint = false} : vector<1280x64xf32>, vector<64x64xf32>, vector<1280x64xf32> -> vector<1280x64xf32>
    %swap3A_36 = arith.constant 0 : index
    %swap3A_37 = arith.constant 0 : index
    %swap3A_38 = vector.load %arg7[%swap3A_36, %swap3A_37] : memref<1280x64xf32, #tpu.memory_space<vmem>>, vector<1280x64xf32>
    tpu.vector_store %arg7[%swap3A_36, %swap3A_37], %dot_general3A_35 {strides = array<i32>} : memref<1280x64xf32, #tpu.memory_space<vmem>>, vector<1280x64xf32>,
    %div3A_39 = arith.constant 1.000000e+00 : f32
    %div3A_40 = vector.broadcast %div3A_39 : f32 to vector<1280x1xf32>
    %div3A_41 = arith.divf %div3A_40, %max3A_11 : vector<1280x1xf32>
    %broadcast_in_dim3A = vector.shape_cast %div3A_41 : vector<1280x1xf32> to vector<1280x1xf32>
    %broadcast_in_dim3A_42 = vector.broadcast %broadcast_in_dim3A : vector<1280x1xf32> to vector<1280x64xf32>
    %swap3A_43 = arith.constant 0 : index
    %swap3A_44 = arith.constant 0 : index
    %swap3A_45 = vector.load %arg8[%swap3A_43, %swap3A_44] : memref<1280x64xf32, #tpu.memory_space<vmem>>, vector<1280x64xf32>
    tpu.vector_store %arg8[%swap3A_43, %swap3A_44], %broadcast_in_dim3A_42 {strides = array<i32>} : memref<1280x64xf32, #tpu.memory_space<vmem>>, vector<1280x64xf32>,
    return
  }
  func.func @transform_0(%arg0: i32) -> (i32, i32) {
    %c0_i32 = arith.constant 0 : i32
    %c0_i32_0 = arith.constant 0 : i32
    return %arg0, %c0_i32 : i32, i32
  }
  func.func @transform_1(%arg0: i32) -> (i32, i32, i32) {
    %c0_i32 = arith.constant 0 : i32
    %c0_i32_0 = arith.constant 0 : i32
    %c0_i32_1 = arith.constant 0 : i32
    return %c0_i32, %arg0, %c0_i32_0 : i32, i32, i32
  }
  func.func @transform_2(%arg0: i32) -> (i32, i32) {
    %c0_i32 = arith.constant 0 : i32
    %c0_i32_0 = arith.constant 0 : i32
    %c0_i32_1 = arith.constant 0 : i32
    return %c0_i32, %c0_i32_0 : i32, i32
  }
  func.func @transform_3(%arg0: i32) -> (i32, i32) {
    %c0_i32 = arith.constant 0 : i32
    %c0_i32_0 = arith.constant 0 : i32
    %c0_i32_1 = arith.constant 0 : i32
    return %c0_i32, %c0_i32_0 : i32, i32
  }
  func.func @transform_4(%arg0: i32) -> (i32, i32) {
    %c0_i32 = arith.constant 0 : i32
    %c0_i32_0 = arith.constant 0 : i32
    %c0_i32_1 = arith.constant 0 : i32
    return %c0_i32, %c0_i32_0 : i32, i32
  }
  func.func @transform_5(%arg0: i32) -> (i32, i32) {
    %c0_i32 = arith.constant 0 : i32
    %c0_i32_0 = arith.constant 0 : i32
    return %arg0, %c0_i32 : i32, i32
  }
  func.func @transform_6(%arg0: i32) -> (i32, i32) {
    %c0_i32 = arith.constant 0 : i32
    %c0_i32_0 = arith.constant 0 : i32
    return %arg0, %c0_i32 : i32, i32
  }
  func.func @transform_7(%arg0: i32) -> (i32, i32) {
    %c0_i32 = arith.constant 0 : i32
    %c0_i32_0 = arith.constant 0 : i32
    return %arg0, %c0_i32 : i32, i32
  }
}

module attributes {stable_mosaic.version = 14 : i64} {
  func.func @body(%arg0: i32, %arg1: memref<1280x64xf32, #tpu.memory_space<vmem>>, %arg2: memref<2x1280x64xf32, #tpu.memory_space<vmem>>, %arg3: memref<1280x64xf32, #tpu.memory_space<vmem>>, %arg4: memref<1x64xf32, #tpu.memory_space<vmem>>, %arg5: memref<1280x64xf32, #tpu.memory_space<vmem>>) attributes {dimension_semantics = [#tpu.dimension_semantics<arbitrary>], iteration_bounds = array<i64: 8>, scalar_prefetch = 0 : i64, scratch_operands = 0 : i64, tpu.core_type = #tpu.core_type<tc>, window_params = [{transform_indices = @transform_0, window_bounds = array<i64: 1280, 64>}, {transform_indices = @transform_1, window_bounds = array<i64: 2, 1280, 64>}, {transform_indices = @transform_2, window_bounds = array<i64: 1280, 64>}, {pipeline_mode = #tpu.pipeline_mode<synchronous>, transform_indices = @transform_3, window_bounds = array<i64: 1, 64>}, {transform_indices = @transform_4, window_bounds = array<i64: 1280, 64>}]} {
    %get3A = arith.constant 0 : index
    %get3A_0 = arith.constant 0 : index
    %get3A_1 = arith.constant 0 : index
    %get3A_2 = vector.load %arg2[%get3A, %get3A_0, %get3A_1] : memref<2x1280x64xf32, #tpu.memory_space<vmem>>, vector<1x1280x64xf32>
    %get3A_3 = vector.shape_cast %get3A_2 : vector<1x1280x64xf32> to vector<1280x64xf32>
    %get3A_4 = arith.constant 1 : index
    %get3A_5 = arith.constant 0 : index
    %get3A_6 = arith.constant 0 : index
    %get3A_7 = vector.load %arg2[%get3A_4, %get3A_5, %get3A_6] : memref<2x1280x64xf32, #tpu.memory_space<vmem>>, vector<1x1280x64xf32>
    %get3A_8 = vector.shape_cast %get3A_7 : vector<1x1280x64xf32> to vector<1280x64xf32>
    %add3A = arith.addf %get3A_3, %get3A_8 : vector<1280x64xf32>
    %get3A_9 = arith.constant 0 : index
    %get3A_10 = arith.constant 0 : index
    %get3A_11 = vector.load %arg1[%get3A_9, %get3A_10] : memref<1280x64xf32, #tpu.memory_space<vmem>>, vector<1280x64xf32>
    %get3A_12 = arith.constant 0 : index
    %get3A_13 = arith.constant 0 : index
    %get3A_14 = vector.load %arg3[%get3A_12, %get3A_13] : memref<1280x64xf32, #tpu.memory_space<vmem>>, vector<1280x64xf32>
    %mul3A = arith.mulf %add3A, %get3A_14 : vector<1280x64xf32>
    %add3A_15 = arith.addf %get3A_11, %mul3A : vector<1280x64xf32>
    %get3A_16 = arith.constant 0 : index
    %get3A_17 = arith.constant 0 : index
    %get3A_18 = vector.load %arg4[%get3A_16, %get3A_17] : memref<1x64xf32, #tpu.memory_space<vmem>>, vector<1x64xf32>
    %add3A_19 = vector.broadcast %get3A_18 : vector<1x64xf32> to vector<1280x64xf32>
    %add3A_20 = arith.addf %add3A_15, %add3A_19 : vector<1280x64xf32>
    %swap3A = arith.constant 0 : index
    %swap3A_21 = arith.constant 0 : index
    %swap3A_22 = vector.load %arg5[%swap3A, %swap3A_21] : memref<1280x64xf32, #tpu.memory_space<vmem>>, vector<1280x64xf32>
    tpu.vector_store %arg5[%swap3A, %swap3A_21], %add3A_20 {strides = array<i32>} : memref<1280x64xf32, #tpu.memory_space<vmem>>, vector<1280x64xf32>,
    return
  }
  func.func @transform_0(%arg0: i32) -> (i32, i32) {
    %c0_i32 = arith.constant 0 : i32
    %c0_i32_0 = arith.constant 0 : i32
    return %arg0, %c0_i32 : i32, i32
  }
  func.func @transform_1(%arg0: i32) -> (i32, i32, i32) {
    %c0_i32 = arith.constant 0 : i32
    %c0_i32_0 = arith.constant 0 : i32
    %c0_i32_1 = arith.constant 0 : i32
    return %c0_i32, %arg0, %c0_i32_0 : i32, i32, i32
  }
  func.func @transform_2(%arg0: i32) -> (i32, i32) {
    %c0_i32 = arith.constant 0 : i32
    %c0_i32_0 = arith.constant 0 : i32
    return %arg0, %c0_i32 : i32, i32
  }
  func.func @transform_3(%arg0: i32) -> (i32, i32) {
    %c0_i32 = arith.constant 0 : i32
    %c0_i32_0 = arith.constant 0 : i32
    %c0_i32_1 = arith.constant 0 : i32
    return %c0_i32, %c0_i32_0 : i32, i32
  }
  func.func @transform_4(%arg0: i32) -> (i32, i32) {
    %c0_i32 = arith.constant 0 : i32
    %c0_i32_0 = arith.constant 0 : i32
    return %arg0, %c0_i32 : i32, i32
  }
}

</mosaic_0001>

<sc_bundles>
// kernel: kernel.10.cloned.1.call-start
scs
__scs_entry_jumppad:
0x0: {  	(pc) =	sbr.rel $0x88, $3  }
0x1: {  	(tag) =	ssettag $0x0;
	lr =	simm.s32 $0x1  }
0x2: {  	[smem:$0x3F99] =	sst lr;
	_ =	strace $0xD0000000  }
0x3: {  	_ = 	snop  }
0x4: {  	_ = 	snop  }
0x5: {  	_ = 	snop  }
0x6: {  	_ = 	snop  }
0x7: {  	_ = 	snop  }
__scs_overlays_trampoline_lowered:
0x8: {  	[smem:$0x3FA8] =	sst s0  }
0x9: {  	[smem:$0x3FA9] =	sst s1  }
0xa: {  	[smem:$0x3FAA] =	sst s2  }
0xb: {  	[smem:$0x3FAB] =	sst s3  }
0xc: {  	[smem:$0x3FAC] =	sst s4  }
0xd: {  	[smem:$0x3FAD] =	sst s5  }
0xe: {  	[smem:$0x3FAE] =	sst s6  }
0xf: {  	[smem:$0x3FAF] =	sst s7  }
0x10: {  	[smem:$0x3FB0] =	sst s8  }
0x11: {  	[smem:$0x3FB1] =	sst s9;
	s0 =	simm.s32 @!p0 $0x0  }
0x12: {  	s1 =	sld [smem:$0x3F97];
	s0 =	simm.s32 @p0 $0x1  }
0x13: {  	[smem:$0x3FB2] =	sst s0;
	s0 =	simm.s32 @!p1 $0x0  }
0x14: {  	s2 =	sld [smem:$0x3F96];
	s0 =	simm.s32 @p1 $0x1  }
0x15: {  	[smem:$0x3FB3] =	sst s0;
	s0 =	simm.s32 @!p2 $0x0  }
0x16: {  	s3 =	sld [smem:$0x3FDB];
	s0 =	simm.s32 @p2 $0x1  }
0x17: {  	s4 =	simm.s32 $0x1BF5;
	[smem:$0x3FB5] =	sst s0  }
0x18: {  	s0 =	sld [smem:$0x3F98];
	_ =	swait.ge [sflag:s4], $0x0  }
0x19: {  	s7 =	sld [smem:$0x3F99]  }
0x1a: {  	s8 =	sadd.s32 $0xFFFFE003, lr  }
0x1b: {  	s9 =	sadd.s32 $0xFFFFFEF7, lr;
	s5 =	simm.s32 $0xFFFFFFFF;
	p2 =	slt.u32 s8, $0xFFFFF086  }
0x1c: {  	p1 =	slt.u32 s9, $0xF7A;
	s5 =	simm.s32 @!p2 $0x0  }
0x1d: {  	s5 =	simm.s32 @p1 $0x1;
	p0 =	seq.s32 s7, s2  }
0x1e: {  	s7 =	smul.u32 @!p0 $0xF7A, s2;
	p2 =	seq.s32 @!p0 s5, $0x0  }
0x1f: {  	s9 =	smul.u32 $0xF7A, s1;
	s8 =	simm.s32 @!p0 $0x1BF5;
	p2 =	por !p2, p0  }
0x20: {  	[sflag:s8] =	ssyncset.s32 @!p0 $0xFFFFF086;
	s6 =	sadd.s32 @!p0 s3, s7;
	s7 =	simm.s32 @!p0 $0x108  }
0x21: {  	s3 =	sadd.s32 s3, s9;
	s6 =	sadd.s32 @!p0 $0x88, s6;
	s7 =	simm.s32 @p2 $0x1082  }
0x22: {  	[simem:s7], [sflag:s8] =	dma.local @!p0 [hbm:s6], $0xF7A  }
0x23: {  	s9 =	sor.u32 $0xD0000000, s2;
	s6 =	simm.s32 $0x108;
	_ =	swait.ge @!p0 [sflag:s8], $0x0  }
0x24: {  	s3 =	sadd.s32 $0x88, s3;
	s6 =	simm.s32 @!p1 $0x1082;
	[sflag:s4] =	ssyncset.s32 $0xFFFFF086  }
0x25: {  	[simem:s6], [sflag:s4] =	dma.local [hbm:s3], $0xF7A  }
0x26: {  	[smem:$0x3F99] =	sst s1;
	(tag) =	ssettag s2;
	_ =	strace s9  }
0x27: {  	s1 =	sld [smem:$0x3FA9]  }
0x28: {  	s2 =	sld [smem:$0x3FAA]  }
0x29: {  	s4 =	sld [smem:$0x3FAC]  }
0x2a: {  	p0 =	seq.s32 s5, $0x0;
	s5 =	sld [smem:$0x3FAD]  }
0x2b: {  	s6 =	sld [smem:$0x3FAE]  }
0x2c: {  	s7 =	sld [smem:$0x3FAF]  }
0x2d: {  	s3 =	simm.s32 $0x108;
	s8 =	sld [smem:$0x3FB0]  }
0x2e: {  	s3 =	simm.s32 @!p0 $0x1082;
	s9 =	sld [smem:$0x3FB1]  }
0x2f: {  	lr =	sadd.s32 s0, s3;
	s0 =	sld [smem:$0x3FA8]  }
0x30: {  	s3 =	sld [smem:$0x3FAB]  }
0x31: {  	[smem:$0x3FB4] =	sst s10  }
0x32: {  	s10 =	sld [smem:$0x3FB2];
	_ =	sdelay $0x3  }
0x33: {  	p0 =	seq.s32 s10, $0x1;
	s10 =	sld [smem:$0x3FB4];
	_ =	sdelay $0x3  }
0x34: {  	[smem:$0x3FB4] =	sst s10  }
0x35: {  	s10 =	sld [smem:$0x3FB3];
	_ =	sdelay $0x3  }
0x36: {  	p1 =	seq.s32 s10, $0x1;
	s10 =	sld [smem:$0x3FB4];
	_ =	sdelay $0x3  }
0x37: {  	[smem:$0x3FB4] =	sst s10  }
0x38: {  	s10 =	sld [smem:$0x3FB5]  }
0x39: {  	_ = 	snop;
	(pc) =	sbr.ind lr, $3  }
0x3a: {  	_ = 	snop  }
0x3b: {  	_ = 	snop  }
0x3c: {  	p2 =	seq.s32 s10, $0x1;
	s10 =	sld [smem:$0x3FB4]  }
0x3d: {  	_ =	shalt  }
0x3e: {  	_ =	shalt  }
0x3f: {  	_ =	shalt  }
0x40: {  	_ =	shalt  }
0x41: {  	_ =	shalt  }
0x42: {  	_ =	shalt  }
0x43: {  	_ =	shalt  }
0x44: {  	_ =	shalt  }
0x45: {  	_ =	shalt  }
0x46: {  	_ =	shalt  }
0x47: {  	_ =	shalt  }
0x48: {  	_ =	shalt  }
0x49: {  	_ =	shalt  }
0x4a: {  	_ =	shalt  }
0x4b: {  	_ =	shalt  }
0x4c: {  	_ =	shalt  }
0x4d: {  	_ =	shalt  }
0x4e: {  	_ =	shalt  }
0x4f: {  	_ =	shalt  }
0x50: {  	_ =	shalt  }
0x51: {  	_ =	shalt  }
0x52: {  	_ =	shalt  }
0x53: {  	_ =	shalt  }
0x54: {  	_ =	shalt  }
0x55: {  	_ =	shalt  }
0x56: {  	_ =	shalt  }
0x57: {  	_ =	shalt  }
0x58: {  	_ =	shalt  }
0x59: {  	_ =	shalt  }
0x5a: {  	_ =	shalt  }
0x5b: {  	_ =	shalt  }
0x5c: {  	_ =	shalt  }
0x5d: {  	_ =	shalt  }
0x5e: {  	_ =	shalt  }
0x5f: {  	_ =	shalt  }
0x60: {  	_ =	shalt  }
0x61: {  	_ =	shalt  }
0x62: {  	_ =	shalt  }
0x63: {  	_ =	shalt  }
0x64: {  	_ =	shalt  }
0x65: {  	_ =	shalt  }
0x66: {  	_ =	shalt  }
0x67: {  	_ =	shalt  }
0x68: {  	_ =	shalt  }
0x69: {  	_ =	shalt  }
0x6a: {  	_ =	shalt  }
0x6b: {  	_ =	shalt  }
0x6c: {  	_ =	shalt  }
0x6d: {  	_ =	shalt  }
0x6e: {  	_ =	shalt  }
0x6f: {  	_ =	shalt  }
0x70: {  	_ =	shalt  }
0x71: {  	_ =	shalt  }
0x72: {  	_ =	shalt  }
0x73: {  	_ =	shalt  }
0x74: {  	_ =	shalt  }
0x75: {  	_ =	shalt  }
0x76: {  	_ =	shalt  }
0x77: {  	_ =	shalt  }
0x78: {  	_ =	shalt  }
0x79: {  	_ =	shalt  }
0x7a: {  	_ =	shalt  }
0x7b: {  	_ =	shalt  }
0x7c: {  	_ =	shalt  }
0x7d: {  	_ =	shalt  }
0x7e: {  	_ =	shalt  }
0x7f: {  	_ =	shalt  }
0x80: {  	_ =	shalt  }
0x81: {  	_ =	shalt  }
0x82: {  	_ =	shalt  }
0x83: {  	_ =	shalt  }
0x84: {  	_ =	shalt  }
0x85: {  	_ =	shalt  }
0x86: {  	_ =	shalt  }
0x87: {  	_ =	shalt  }
.Lfunc_end0:
.L_simem_size_0:
called_computation.1_lowered:
.L_overlay_start_0:
0x88: {  	s2 =	sld [smem:$0x3FD9]  }
0x89: {  	s3 =	sld [smem:$0x3FFE];
	_ =	sdelay $0x1  }
0x8a: {  	s1 =	srdreg.scid  }
0x8b: {  	s0 =	sand.u32 $0x1, s1  }
0x8c: {  	s17 =	sshll.u32 s0, $0xA;
	s2 =	sadd.s32 s3, s2  }
0x8d: {  	s2 =	sadd.s32 s2, s17  }
0x8e: {  	[smem:$0x3FC0] =	sst s2  }
0x8f: {  	_ = 	snop  }
0x90: {  	s2 =	sld [smem:$0x3FD0];
	(tm) =	ssettm $0x1  }
0x91: {  	s18 =	sld [smem:$0x3FFB];
	_ =	sdelay $0x3  }
0x92: {  	_ =	strace s18  }
0x93: {  	s3 =	sld [smem:$0x3FFC];
	_ =	sdelay $0x3  }
0x94: {  	_ =	strace s3  }
0x95: {  	s3 =	sld [smem:$0x3FFD];
	_ =	sdelay $0x3  }
0x96: {  	_ =	strace s3  }
0x97: {  	_ =	strace $0x8FFFFFFF  }
0x98: {  	s19 =	sld [smem:$0x3FDB];
	_ =	sdelay $0x1  }
0x99: {  	s4 =	simm.s32 $_scs_section_size  }
0x9a: {  	s5 =	simm.s32 $_size__tile_overlayer_lowered;
	s6 =	simm.s32 $_tile_overlayer_lowered  }
0x9b: {  	s22 =	simm.s32 $0x1BFF;
	s21 =	sshll.u32 s6, $0x1;
	s3 =	sadd.s32 s4, s19  }
0x9c: {  	s7 =	simm.s32 $0x0;
	s20 =	sshll.u32 s5, $0x1;
	s5 =	sadd.s32 s21, s3  }
0x9d: {  	[timem:s7], [sflag:s22] =	dma.local [hbm:s5], s20  }
0x9e: {  	_ =	swait.ge [sflag:s22], s20  }
0x9f: {  	s4 =	ssub.s32 $0x0, s20;
	[sflag:s22] =	ssyncset.done $0x0  }
0xa0: {  	[sflag:s22] =	ssyncadd.s32 s4;
	_ =	sdelay $0x1  }
0xa1: {  	s23 =	simm.s32 $0x1B8B  }
0xa2: {  	_ =	swait.ge [sflag:s23], $0x1  }
0xa3: {  	[sflag:s23] =	ssyncset.done $0x0  }
0xa4: {  	s25 =	simm.s32 $0x1B8E;
	s24 =	sld [smem:$0x3FFE];
	[sflag:s23] =	ssyncadd.s32 $0xFFFFFFFF  }
0xa5: {  	s26 =	simm.s32 $execute0_lowered;
	[smem:$0x3FD2] =	sst s25  }
0xa6: {  	s5 =	sshll.u32 s26, $0x1;
	_ =	strace $0x80000049;
	[dreg:$0x1] =	wrdreg $0xFFFFFFFF  }
0xa7: {  	s28 =	simm.s32 $_size_execute0_lowered;
	s3 =	sadd.s32 s3, s5;
	[dreg:$0x0] =	wrdreg $0x0  }
0xa8: {  	s5 =	sshll.u32 s28, $0x1;
	[dreg:$0x2] =	wrdreg s3  }
0xa9: {  	[dreg:$0x3] =	wrdreg s5  }
0xaa: {  	[dreg:$0x4] =	wrdreg $0xC0  }
0xab: {  	_ =	task [dreg:s7], $0x5FFFF  }
0xac: {  	[dreg:$0x1] =	wrdreg $0xFFFFFFFF  }
0xad: {  	[dreg:$0x0] =	wrdreg $0x60  }
0xae: {  	[dreg:$0x2] =	wrdreg s24  }
0xaf: {  	[dreg:$0x3] =	wrdreg s2  }
0xb0: {  	[dreg:$0x4] =	wrdreg $0x70000  }
0xb1: {  	[dreg:$0x5] =	wrdreg $0x9  }
0xb2: {  	_ =	task.clear_ibuf [dreg:s7], $0x6FFFF;
	_ =	strace $0x90000049  }
0xb3: {  	s29 =	simm.s32 $0x9;
	_ =	strace $0x8000004B  }
0xb4: {  	_ =	swait.ge [sflag:s29], $0x1  }
0xb5: {  	[sflag:s29] =	ssyncadd.s32 $0xFFFFFFFF  }
0xb6: {  	_ =	strace $0x9000004B  }
0xb7: {  	_ =	sfence  }
0xb8: {  	s30 =	sld [smem:$0x0];
	_ =	sdelay $0x2  }
0xb9: {  	s31 =	sshll.u32 s1, $0xD;
	s1 =	sshrl.u32 s1, $0x2  }
0xba: {  	s3 =	sand.u32 $0x4000, s31;
	s1 =	sadd.s32 s1, s30  }
0xbb: {  	s0 =	sor.u32 s3, s0;
	s1 =	sshll.u32 s1, $0x11  }
0xbc: {  	s0 =	sor.u32 s1, s0  }
0xbd: {  	s0 =	sadd.s32 $0x8F2B, s0  }
0xbe: {  	[sflag:s0] =	ssyncadd.remote.s32 $0x1  }
0xbf: {  	_ =	sfence.sel $0xFFFF  }
0xc0: {  	[dreg:$0x0] =	wrdreg $0xFFFFFFFF;
	(pc) =	sbr.abs _section_cstart, $3  }
0xc1: {  	[dreg:$0x1] =	wrdreg $0xFFFFFFFF  }
0xc2: {  	_ =	task.clear_ibuf [dreg:s7], $0x2FFFF;
	_ =	strace $0x9FFFFFFF  }
0xc3: {  	(tm) =	ssettm $0x7FFFFFFF  }
tec
execute0_lowered:
.L_overlay_start_1:
0x0: {  	(tag) =	ssettag $0x1  }
0x1: {  	s6 =	rddreg [dreg:$0x0]  }
0x2: {  	s7 =	rddreg [dreg:$0x1]  }
0x3: {  	s0 =	srdreg.scid;
	s2 =	rddreg [dreg:$0x2]  }
0x4: {  	s3 =	simm.s32 $0x0;
	s15 =	simm.s32 $0x5000;
	s16 =	simm.s32 $0x1  }
0x5: {  	s17 =	simm.s32 $0x0;
	s5 =	sand.u32 $0x1, s0;
	s0 =	stileid.u32  }
0x6: {  	[smem:$0x7FF] =	sst s3;
	s4 =	sadd.s32 $0x1200, s6;
	s9 =	smul.u32 $0xA000, s0  }
0x7: {  	s1 =	sshll.u32 s5, $0x4;
	s10 =	smul.u32 $0xA0000, s5;
	s5 =	ssub.s32 $0x2, s5  }
0x8: {  	s31 =	sshll.u32 s0, $0x6;
	s1 =	sor.u32 s0, s1;
	s13 =	sshrl.u32 s5, $0x1  }
0x9: {  	s8 =	smul.u32 $0x500, s1;
	s1 =	rddreg [dreg:$0x3];
	_ =	strace $0x8000004A  }
0xa: {  	s10 =	sadd.s32 s9, s10;
	s12 =	sshrl.u32 s9, $0x3;
	s13 =	ssub.s32 s5, s13  }
0xb: {  	s14 =	sadd.s32 s9, s2;
	s10 =	sshrl.u32 s10, $0x3;
	s12 =	sadd.s32 s12, s6  }
0xc: {  	s11 =	sadd.s32 s8, s6;
	s10 =	sadd.s32 s10, s6;
	s5 =	sadd.s32 $0x24200, s12  }
0xd: {  	s6 =	sor.u32 $0x1C02, s31;
	s7 =	sadd.s32 s7, s8;
	s12 =	simm.s32 $0x2  }
0xe: {  	s8 =	sadd.s32 $0x1A200, s11;
	s9 =	sadd.s32 $0x38200, s10;
	s10 =	smax.u32 s13, $0x1  }
0xf: {  	s11 =	sshrl.u32 s14, $0x3;
	s13 =	simm.s32 $0x2800;
	s14 =	simm.s32 $0x80  }
.LBB2_1:
0x10: {  	[spmem:s11], [sflag:s6] =	dma.local [hbm:s5], $0x1400  }
0x11: {  	_ =	swait.ge [sflag:s12], $0x1400  }
0x12: {  	[sflag:s12] =	ssyncset.done $0x0  }
0x13: {  	[sflag:s12] =	ssyncadd.s32 $0xFFFFEC00  }
0x14: {  	[tilespmem:s3], [sflag:$0x2] =	stream.linear.gather [hbm4b:s7+s3], $0x2800, $0x38;
	[tilespmem:$0x11000] =	vst v63  }
0x15: {  	_ =	swait.ge [sflag:s12], $0x2800  }
0x16: {  	[sflag:s12] =	ssyncset.done $0x0  }
0x17: {  	[sflag:s12] =	ssyncadd.s32 $0xFFFFD800  }
0x18: {  	[tilespmem:s13], [sflag:$0x2] =	stream.linear.gather [hbm4b:s8+s3], $0x2800, $0x38;
	[tilespmem:$0x11000] =	vst v63  }
0x19: {  	_ =	swait.ge [sflag:s12], $0x2800  }
0x1a: {  	[sflag:s12] =	ssyncset.done $0x0  }
0x1b: {  	[sflag:s12] =	ssyncadd.s32 $0xFFFFD800  }
0x1c: {  	s18 =	simm.s32 $0x0;
	[bflag:$0x0] =	sbarrier.arrive $0xFFFF  }
0x1d: {  	[tilespmem:s15], [sflag:$0x1] =	stream.indirect.gather [hbm4b:s4+s14], $0x40, s18, s14, $0xb8;
	[tilespmem:$0x11000] =	vst v63  }
0x1e: {  	_ =	swait.ge [sflag:s16], $0x2000  }
0x1f: {  	[sflag:s16] =	ssyncset.done $0x0  }
0x20: {  	s31 =	simm.s32 $0x2800;
	[sflag:s16] =	ssyncadd.s32 $0xFFFFE000  }
0x21: {  	[spmem:s2] =	stream.indirect.scatter.add.f32 [tilespmem:s15], [sflag:$0x2], $0x40, s31, s14, $0xb8;
	[tilespmem:$0x11000] =	vst v63  }
0x22: {  	_ =	swait.ge [sflag:s12], $0x2000  }
0x23: {  	s19 =	simm.s32 $0x400;
	s18 =	simm.s32 $0x200;
	[sflag:s12] =	ssyncset.done $0x0  }
.LBB2_2:
0x24: {  	s20 =	sshra.s32 s18, $0x2  }
0x25: {  	[sflag:s12] =	ssyncadd.s32 $0xFFFFE000;
	s18 =	smov.u32 s19;
	s21 =	sadd.s32 $0x200, s19  }
0x26: {  	[tilespmem:s15], [sflag:$0x1] =	stream.indirect.gather [hbm4b:s4+s14], $0x40, s20, s14, $0xb8;
	[tilespmem:$0x11000] =	vst v63  }
0x27: {  	p0 =	sne.s32 s19, $0x9E00;
	_ =	swait.ge [sflag:s16], $0x2000  }
.Ltmp0:
0x28: {  	[sflag:s16] =	ssyncset.done $0x0;
	(pc) =	sbr.rel @p0 .LBB2_2-.Ltmp0, $4  }
0x29: {  	s19 =	sadd.s32 $0x2800, s20;
	[sflag:s16] =	ssyncadd.s32 $0xFFFFE000  }
0x2a: {  	[spmem:s2] =	stream.indirect.scatter.add.f32 [tilespmem:s15], [sflag:$0x2], $0x40, s19, s14, $0xb8;
	[tilespmem:$0x11000] =	vst v63  }
0x2b: {  	_ =	swait.ge [sflag:s12], $0x2000  }
0x2c: {  	s19 =	smov.u32 s21;
	[sflag:s12] =	ssyncset.done $0x0  }
0x2d: {  	s18 =	sshra.s32 s18, $0x2;
	[sflag:s12] =	ssyncadd.s32 $0xFFFFE000  }
0x2e: {  	[tilespmem:s15], [sflag:$0x1] =	stream.indirect.gather [hbm4b:s4+s14], $0x40, s18, s14, $0xb8;
	[tilespmem:$0x11000] =	vst v63  }
0x2f: {  	_ =	swait.ge [sflag:s16], $0x2000  }
0x30: {  	[sflag:s16] =	ssyncset.done $0x0  }
0x31: {  	s18 =	sadd.s32 $0x2800, s18;
	[sflag:s16] =	ssyncadd.s32 $0xFFFFE000  }
0x32: {  	[spmem:s2] =	stream.indirect.scatter.add.f32 [tilespmem:s15], [sflag:$0x2], $0x40, s18, s14, $0xb8;
	[tilespmem:$0x11000] =	vst v63  }
0x33: {  	_ =	swait.ge [sflag:s12], $0x2000  }
0x34: {  	s17 =	sadd.s32 $0x1, s17;
	[sflag:s12] =	ssyncset.done $0x0  }
0x35: {  	p0 =	sne.s32 s17, s10;
	[sflag:s12] =	ssyncadd.s32 $0xFFFFE000  }
.Ltmp1:
0x36: {  	[bflag:$0x0] =	sbarrier.arrive $0xFFFF;
	(pc) =	sbr.rel @p0 .LBB2_1-.Ltmp1, $4  }
0x37: {  	[hbm:s9], [sflag:s6] =	dma.local [spmem:s11], $0x1400  }
0x38: {  	_ =	swait.ge [sflag:s12], $0x1400  }
0x39: {  	[sflag:s12] =	ssyncset.done $0x0  }
0x3a: {  	[sflag:s12] =	ssyncadd.s32 $0xFFFFEC00  }
0x3b: {  	_ =	sfence.sel $0x180000  }
0x3c: {  	[bflag:$0x0] =	sbarrier.arrive $0xFFFF  }
0x3d: {  	p0 =	sne.s32 s0, $0x0;
	_ =	strace $0x9000004A  }
0x3e: {  	s0 =	sadd.s32 @!p0 $0x100000, s1;
	[bflag:$0x2] =	sbarrier.arrive $0xFFFF  }
0x3f: {  	[sflag:s0] =	ssyncadd.tile.s32 @!p0 $0x1;
	_ =	shalt  }
.Lfunc_end2:
_tile_overlayer_lowered:
.L_overlay_start_2:
0x40: {  	(tag) =	ssettag $0x2  }
0x41: {  	s0 =	rddreg [dreg:$0x0];
	s2 =	stileid.u32  }
0x42: {  	s1 =	rddreg [dreg:$0x1];
	p0 =	sne.s32 s2, $0x0  }
0x43: {  	s3 =	rddreg [dreg:$0x2];
	[bflag:$0x3] =	sbarrier.arrive $0xFFFF;
	s2 =	simm.s32 @!p0 $0x1C02  }
0x44: {  	[timem:s3], [sflag:s2] =	dma.local @!p0 [hbm:s0], s1  }
0x45: {  	s0 =	simm.s32 @!p0 $0x2  }
0x46: {  	_ =	swait.ge @!p0 [sflag:s0], s1  }
0x47: {  	s1 =	ssub.s32 @!p0 $0x0, s1;
	[sflag:s0] =	ssyncset.done @!p0 $0x0  }
0x48: {  	[sflag:s0] =	ssyncadd.s32 @!p0 s1  }
0x49: {  	[bflag:$0x3] =	sbarrier.arrive $0xFFFF  }
0x4a: {  	_ =	shalt  }

// kernel: kernel.7.cloned.1.call-start
scs
__scs_entry_jumppad:
0x0: {  	(pc) =	sbr.rel $0x88, $3  }
0x1: {  	(tag) =	ssettag $0x0;
	lr =	simm.s32 $0x1  }
0x2: {  	[smem:$0x3F99] =	sst lr;
	_ =	strace $0xD0000000  }
0x3: {  	_ = 	snop  }
0x4: {  	_ = 	snop  }
0x5: {  	_ = 	snop  }
0x6: {  	_ = 	snop  }
0x7: {  	_ = 	snop  }
__scs_overlays_trampoline_lowered:
0x8: {  	[smem:$0x3FA8] =	sst s0  }
0x9: {  	[smem:$0x3FA9] =	sst s1  }
0xa: {  	[smem:$0x3FAA] =	sst s2  }
0xb: {  	[smem:$0x3FAB] =	sst s3  }
0xc: {  	[smem:$0x3FAC] =	sst s4  }
0xd: {  	[smem:$0x3FAD] =	sst s5  }
0xe: {  	[smem:$0x3FAE] =	sst s6  }
0xf: {  	[smem:$0x3FAF] =	sst s7  }
0x10: {  	[smem:$0x3FB0] =	sst s8  }
0x11: {  	[smem:$0x3FB1] =	sst s9;
	s0 =	simm.s32 @!p0 $0x0  }
0x12: {  	s1 =	sld [smem:$0x3F97];
	s0 =	simm.s32 @p0 $0x1  }
0x13: {  	[smem:$0x3FB2] =	sst s0;
	s0 =	simm.s32 @!p1 $0x0  }
0x14: {  	s2 =	sld [smem:$0x3F96];
	s0 =	simm.s32 @p1 $0x1  }
0x15: {  	[smem:$0x3FB3] =	sst s0;
	s0 =	simm.s32 @!p2 $0x0  }
0x16: {  	s3 =	sld [smem:$0x3FDB];
	s0 =	simm.s32 @p2 $0x1  }
0x17: {  	s4 =	simm.s32 $0x1BF5;
	[smem:$0x3FB5] =	sst s0  }
0x18: {  	s0 =	sld [smem:$0x3F98];
	_ =	swait.ge [sflag:s4], $0x0  }
0x19: {  	s7 =	sld [smem:$0x3F99]  }
0x1a: {  	s8 =	sadd.s32 $0xFFFFE003, lr  }
0x1b: {  	s9 =	sadd.s32 $0xFFFFFEF7, lr;
	s5 =	simm.s32 $0xFFFFFFFF;
	p2 =	slt.u32 s8, $0xFFFFF086  }
0x1c: {  	p1 =	slt.u32 s9, $0xF7A;
	s5 =	simm.s32 @!p2 $0x0  }
0x1d: {  	s5 =	simm.s32 @p1 $0x1;
	p0 =	seq.s32 s7, s2  }
0x1e: {  	s7 =	smul.u32 @!p0 $0xF7A, s2;
	p2 =	seq.s32 @!p0 s5, $0x0  }
0x1f: {  	s9 =	smul.u32 $0xF7A, s1;
	s8 =	simm.s32 @!p0 $0x1BF5;
	p2 =	por !p2, p0  }
0x20: {  	[sflag:s8] =	ssyncset.s32 @!p0 $0xFFFFF086;
	s6 =	sadd.s32 @!p0 s3, s7;
	s7 =	simm.s32 @!p0 $0x108  }
0x21: {  	s3 =	sadd.s32 s3, s9;
	s6 =	sadd.s32 @!p0 $0x88, s6;
	s7 =	simm.s32 @p2 $0x1082  }
0x22: {  	[simem:s7], [sflag:s8] =	dma.local @!p0 [hbm:s6], $0xF7A  }
0x23: {  	s9 =	sor.u32 $0xD0000000, s2;
	s6 =	simm.s32 $0x108;
	_ =	swait.ge @!p0 [sflag:s8], $0x0  }
0x24: {  	s3 =	sadd.s32 $0x88, s3;
	s6 =	simm.s32 @!p1 $0x1082;
	[sflag:s4] =	ssyncset.s32 $0xFFFFF086  }
0x25: {  	[simem:s6], [sflag:s4] =	dma.local [hbm:s3], $0xF7A  }
0x26: {  	[smem:$0x3F99] =	sst s1;
	(tag) =	ssettag s2;
	_ =	strace s9  }
0x27: {  	s1 =	sld [smem:$0x3FA9]  }
0x28: {  	s2 =	sld [smem:$0x3FAA]  }
0x29: {  	s4 =	sld [smem:$0x3FAC]  }
0x2a: {  	p0 =	seq.s32 s5, $0x0;
	s5 =	sld [smem:$0x3FAD]  }
0x2b: {  	s6 =	sld [smem:$0x3FAE]  }
0x2c: {  	s7 =	sld [smem:$0x3FAF]  }
0x2d: {  	s3 =	simm.s32 $0x108;
	s8 =	sld [smem:$0x3FB0]  }
0x2e: {  	s3 =	simm.s32 @!p0 $0x1082;
	s9 =	sld [smem:$0x3FB1]  }
0x2f: {  	lr =	sadd.s32 s0, s3;
	s0 =	sld [smem:$0x3FA8]  }
0x30: {  	s3 =	sld [smem:$0x3FAB]  }
0x31: {  	[smem:$0x3FB4] =	sst s10  }
0x32: {  	s10 =	sld [smem:$0x3FB2];
	_ =	sdelay $0x3  }
0x33: {  	p0 =	seq.s32 s10, $0x1;
	s10 =	sld [smem:$0x3FB4];
	_ =	sdelay $0x3  }
0x34: {  	[smem:$0x3FB4] =	sst s10  }
0x35: {  	s10 =	sld [smem:$0x3FB3];
	_ =	sdelay $0x3  }
0x36: {  	p1 =	seq.s32 s10, $0x1;
	s10 =	sld [smem:$0x3FB4];
	_ =	sdelay $0x3  }
0x37: {  	[smem:$0x3FB4] =	sst s10  }
0x38: {  	s10 =	sld [smem:$0x3FB5]  }
0x39: {  	_ = 	snop;
	(pc) =	sbr.ind lr, $3  }
0x3a: {  	_ = 	snop  }
0x3b: {  	_ = 	snop  }
0x3c: {  	p2 =	seq.s32 s10, $0x1;
	s10 =	sld [smem:$0x3FB4]  }
0x3d: {  	_ =	shalt  }
0x3e: {  	_ =	shalt  }
0x3f: {  	_ =	shalt  }
0x40: {  	_ =	shalt  }
0x41: {  	_ =	shalt  }
0x42: {  	_ =	shalt  }
0x43: {  	_ =	shalt  }
0x44: {  	_ =	shalt  }
0x45: {  	_ =	shalt  }
0x46: {  	_ =	shalt  }
0x47: {  	_ =	shalt  }
0x48: {  	_ =	shalt  }
0x49: {  	_ =	shalt  }
0x4a: {  	_ =	shalt  }
0x4b: {  	_ =	shalt  }
0x4c: {  	_ =	shalt  }
0x4d: {  	_ =	shalt  }
0x4e: {  	_ =	shalt  }
0x4f: {  	_ =	shalt  }
0x50: {  	_ =	shalt  }
0x51: {  	_ =	shalt  }
0x52: {  	_ =	shalt  }
0x53: {  	_ =	shalt  }
0x54: {  	_ =	shalt  }
0x55: {  	_ =	shalt  }
0x56: {  	_ =	shalt  }
0x57: {  	_ =	shalt  }
0x58: {  	_ =	shalt  }
0x59: {  	_ =	shalt  }
0x5a: {  	_ =	shalt  }
0x5b: {  	_ =	shalt  }
0x5c: {  	_ =	shalt  }
0x5d: {  	_ =	shalt  }
0x5e: {  	_ =	shalt  }
0x5f: {  	_ =	shalt  }
0x60: {  	_ =	shalt  }
0x61: {  	_ =	shalt  }
0x62: {  	_ =	shalt  }
0x63: {  	_ =	shalt  }
0x64: {  	_ =	shalt  }
0x65: {  	_ =	shalt  }
0x66: {  	_ =	shalt  }
0x67: {  	_ =	shalt  }
0x68: {  	_ =	shalt  }
0x69: {  	_ =	shalt  }
0x6a: {  	_ =	shalt  }
0x6b: {  	_ =	shalt  }
0x6c: {  	_ =	shalt  }
0x6d: {  	_ =	shalt  }
0x6e: {  	_ =	shalt  }
0x6f: {  	_ =	shalt  }
0x70: {  	_ =	shalt  }
0x71: {  	_ =	shalt  }
0x72: {  	_ =	shalt  }
0x73: {  	_ =	shalt  }
0x74: {  	_ =	shalt  }
0x75: {  	_ =	shalt  }
0x76: {  	_ =	shalt  }
0x77: {  	_ =	shalt  }
0x78: {  	_ =	shalt  }
0x79: {  	_ =	shalt  }
0x7a: {  	_ =	shalt  }
0x7b: {  	_ =	shalt  }
0x7c: {  	_ =	shalt  }
0x7d: {  	_ =	shalt  }
0x7e: {  	_ =	shalt  }
0x7f: {  	_ =	shalt  }
0x80: {  	_ =	shalt  }
0x81: {  	_ =	shalt  }
0x82: {  	_ =	shalt  }
0x83: {  	_ =	shalt  }
0x84: {  	_ =	shalt  }
0x85: {  	_ =	shalt  }
0x86: {  	_ =	shalt  }
0x87: {  	_ =	shalt  }
.Lfunc_end0:
.L_simem_size_0:
called_computation_lowered:
.L_overlay_start_0:
0x88: {  	s2 =	sld [smem:$0x3FD9]  }
0x89: {  	s3 =	sld [smem:$0x3FFE];
	_ =	sdelay $0x1  }
0x8a: {  	s1 =	srdreg.scid  }
0x8b: {  	s0 =	sand.u32 $0x1, s1  }
0x8c: {  	s17 =	sshll.u32 s0, $0xA;
	s2 =	sadd.s32 s3, s2  }
0x8d: {  	s2 =	sadd.s32 s2, s17  }
0x8e: {  	[smem:$0x3FC0] =	sst s2  }
0x8f: {  	_ = 	snop  }
0x90: {  	s2 =	sld [smem:$0x3FD0];
	(tm) =	ssettm $0x1  }
0x91: {  	s18 =	sld [smem:$0x3FFB];
	_ =	sdelay $0x3  }
0x92: {  	_ =	strace s18  }
0x93: {  	s3 =	sld [smem:$0x3FFC];
	_ =	sdelay $0x3  }
0x94: {  	_ =	strace s3  }
0x95: {  	s3 =	sld [smem:$0x3FFD];
	_ =	sdelay $0x3  }
0x96: {  	_ =	strace s3  }
0x97: {  	_ =	strace $0x8FFFFFFF  }
0x98: {  	s19 =	sld [smem:$0x3FDB];
	_ =	sdelay $0x1  }
0x99: {  	s4 =	simm.s32 $_scs_section_size  }
0x9a: {  	s5 =	simm.s32 $_size__tile_overlayer_lowered;
	s6 =	simm.s32 $_tile_overlayer_lowered  }
0x9b: {  	s22 =	simm.s32 $0x1BFF;
	s21 =	sshll.u32 s6, $0x1;
	s3 =	sadd.s32 s4, s19  }
0x9c: {  	s7 =	simm.s32 $0x0;
	s20 =	sshll.u32 s5, $0x1;
	s5 =	sadd.s32 s21, s3  }
0x9d: {  	[timem:s7], [sflag:s22] =	dma.local [hbm:s5], s20  }
0x9e: {  	_ =	swait.ge [sflag:s22], s20  }
0x9f: {  	s4 =	ssub.s32 $0x0, s20;
	[sflag:s22] =	ssyncset.done $0x0  }
0xa0: {  	[sflag:s22] =	ssyncadd.s32 s4;
	_ =	sdelay $0x1  }
0xa1: {  	s23 =	simm.s32 $0x1B8B  }
0xa2: {  	_ =	swait.ge [sflag:s23], $0x1  }
0xa3: {  	[sflag:s23] =	ssyncset.done $0x0  }
0xa4: {  	s25 =	simm.s32 $0x1B8E;
	s24 =	sld [smem:$0x3FFE];
	[sflag:s23] =	ssyncadd.s32 $0xFFFFFFFF  }
0xa5: {  	s26 =	simm.s32 $execute0_lowered;
	[smem:$0x3FD2] =	sst s25  }
0xa6: {  	s5 =	sshll.u32 s26, $0x1;
	_ =	strace $0x80000046;
	[dreg:$0x1] =	wrdreg $0xFFFFFFFF  }
0xa7: {  	s28 =	simm.s32 $_size_execute0_lowered;
	s3 =	sadd.s32 s3, s5;
	[dreg:$0x0] =	wrdreg $0x0  }
0xa8: {  	s5 =	sshll.u32 s28, $0x1;
	[dreg:$0x2] =	wrdreg s3  }
0xa9: {  	[dreg:$0x3] =	wrdreg s5  }
0xaa: {  	[dreg:$0x4] =	wrdreg $0xC0  }
0xab: {  	_ =	task [dreg:s7], $0x5FFFF  }
0xac: {  	[dreg:$0x1] =	wrdreg $0xFFFFFFFF  }
0xad: {  	[dreg:$0x0] =	wrdreg $0x60  }
0xae: {  	[dreg:$0x2] =	wrdreg s24  }
0xaf: {  	[dreg:$0x3] =	wrdreg s2  }
0xb0: {  	[dreg:$0x4] =	wrdreg $0x78000  }
0xb1: {  	[dreg:$0x5] =	wrdreg $0x9  }
0xb2: {  	_ =	task.clear_ibuf [dreg:s7], $0x6FFFF;
	_ =	strace $0x90000046  }
0xb3: {  	s29 =	simm.s32 $0x9;
	_ =	strace $0x80000048  }
0xb4: {  	_ =	swait.ge [sflag:s29], $0x1  }
0xb5: {  	[sflag:s29] =	ssyncadd.s32 $0xFFFFFFFF  }
0xb6: {  	_ =	strace $0x90000048  }
0xb7: {  	_ =	sfence  }
0xb8: {  	s30 =	sld [smem:$0x0];
	_ =	sdelay $0x2  }
0xb9: {  	s31 =	sshll.u32 s1, $0xD;
	s1 =	sshrl.u32 s1, $0x2  }
0xba: {  	s3 =	sand.u32 $0x4000, s31;
	s1 =	sadd.s32 s1, s30  }
0xbb: {  	s0 =	sor.u32 s3, s0;
	s1 =	sshll.u32 s1, $0x11  }
0xbc: {  	s0 =	sor.u32 s1, s0  }
0xbd: {  	s0 =	sadd.s32 $0x8F2B, s0  }
0xbe: {  	[sflag:s0] =	ssyncadd.remote.s32 $0x1  }
0xbf: {  	_ =	sfence.sel $0xFFFF  }
0xc0: {  	[dreg:$0x0] =	wrdreg $0xFFFFFFFF;
	(pc) =	sbr.abs _section_cstart, $3  }
0xc1: {  	[dreg:$0x1] =	wrdreg $0xFFFFFFFF  }
0xc2: {  	_ =	task.clear_ibuf [dreg:s7], $0x2FFFF;
	_ =	strace $0x9FFFFFFF  }
0xc3: {  	(tm) =	ssettm $0x7FFFFFFF  }
tec
execute0_lowered:
.L_overlay_start_1:
0x0: {  	(tag) =	ssettag $0x1  }
0x1: {  	s6 =	rddreg [dreg:$0x0]  }
0x2: {  	s7 =	rddreg [dreg:$0x1]  }
0x3: {  	s0 =	srdreg.scid;
	s2 =	rddreg [dreg:$0x2]  }
0x4: {  	s3 =	simm.s32 $0x0;
	s15 =	simm.s32 $0x5000;
	s16 =	simm.s32 $0x1  }
0x5: {  	s17 =	simm.s32 $0x0;
	s5 =	sand.u32 $0x1, s0;
	s0 =	stileid.u32  }
0x6: {  	[smem:$0x7FF] =	sst s3;
	s4 =	sadd.s32 $0x1200, s6;
	s9 =	smul.u32 $0xC800, s0  }
0x7: {  	s1 =	sshll.u32 s5, $0x4;
	s10 =	smul.u32 $0xC8000, s5;
	s5 =	ssub.s32 $0x2, s5  }
0x8: {  	s31 =	sshll.u32 s0, $0x6;
	s1 =	sor.u32 s0, s1;
	s13 =	sshrl.u32 s5, $0x1  }
0x9: {  	s8 =	smul.u32 $0x500, s1;
	s1 =	rddreg [dreg:$0x3];
	_ =	strace $0x80000047  }
0xa: {  	s10 =	sadd.s32 s9, s10;
	s12 =	sshrl.u32 s9, $0x3;
	s13 =	ssub.s32 s5, s13  }
0xb: {  	s14 =	sadd.s32 s9, s2;
	s10 =	sshrl.u32 s10, $0x3;
	s12 =	sadd.s32 s12, s6  }
0xc: {  	s11 =	sadd.s32 s8, s6;
	s10 =	sadd.s32 s10, s6;
	s5 =	sadd.s32 $0x24200, s12  }
0xd: {  	s6 =	sor.u32 $0x1C02, s31;
	s7 =	sadd.s32 s7, s8;
	s12 =	simm.s32 $0x2  }
0xe: {  	s8 =	sadd.s32 $0x1A200, s11;
	s9 =	sadd.s32 $0x3D200, s10;
	s10 =	smax.u32 s13, $0x1  }
0xf: {  	s11 =	sshrl.u32 s14, $0x3;
	s13 =	simm.s32 $0x2800;
	s14 =	simm.s32 $0x80  }
.LBB2_1:
0x10: {  	[spmem:s11], [sflag:s6] =	dma.local [hbm:s5], $0x1900  }
0x11: {  	_ =	swait.ge [sflag:s12], $0x1900  }
0x12: {  	[sflag:s12] =	ssyncset.done $0x0  }
0x13: {  	[sflag:s12] =	ssyncadd.s32 $0xFFFFE700  }
0x14: {  	[tilespmem:s3], [sflag:$0x2] =	stream.linear.gather [hbm4b:s7+s3], $0x2800, $0x38;
	[tilespmem:$0x14000] =	vst v63  }
0x15: {  	_ =	swait.ge [sflag:s12], $0x2800  }
0x16: {  	[sflag:s12] =	ssyncset.done $0x0  }
0x17: {  	[sflag:s12] =	ssyncadd.s32 $0xFFFFD800  }
0x18: {  	[tilespmem:s13], [sflag:$0x2] =	stream.linear.gather [hbm4b:s8+s3], $0x2800, $0x38;
	[tilespmem:$0x14000] =	vst v63  }
0x19: {  	_ =	swait.ge [sflag:s12], $0x2800  }
0x1a: {  	[sflag:s12] =	ssyncset.done $0x0  }
0x1b: {  	[sflag:s12] =	ssyncadd.s32 $0xFFFFD800  }
0x1c: {  	s18 =	simm.s32 $0x0;
	[bflag:$0x0] =	sbarrier.arrive $0xFFFF  }
0x1d: {  	[tilespmem:s15], [sflag:$0x1] =	stream.indirect.gather [hbm4b:s4+s14], $0x50, s18, s14, $0xb8;
	[tilespmem:$0x14000] =	vst v63  }
0x1e: {  	_ =	swait.ge [sflag:s16], $0x2800  }
0x1f: {  	[sflag:s16] =	ssyncset.done $0x0  }
0x20: {  	s31 =	simm.s32 $0x2800;
	[sflag:s16] =	ssyncadd.s32 $0xFFFFD800  }
0x21: {  	[spmem:s2] =	stream.indirect.scatter.add.f32 [tilespmem:s15], [sflag:$0x2], $0x50, s31, s14, $0xb8;
	[tilespmem:$0x14000] =	vst v63  }
0x22: {  	_ =	swait.ge [sflag:s12], $0x2800  }
0x23: {  	s19 =	simm.s32 $0x400;
	s18 =	simm.s32 $0x200;
	[sflag:s12] =	ssyncset.done $0x0  }
.LBB2_2:
0x24: {  	s20 =	sshra.s32 s18, $0x2  }
0x25: {  	[sflag:s12] =	ssyncadd.s32 $0xFFFFD800;
	s18 =	smov.u32 s19;
	s21 =	sadd.s32 $0x200, s19  }
0x26: {  	[tilespmem:s15], [sflag:$0x1] =	stream.indirect.gather [hbm4b:s4+s14], $0x50, s20, s14, $0xb8;
	[tilespmem:$0x14000] =	vst v63  }
0x27: {  	p0 =	sne.s32 s19, $0x9E00;
	_ =	swait.ge [sflag:s16], $0x2800  }
.Ltmp0:
0x28: {  	[sflag:s16] =	ssyncset.done $0x0;
	(pc) =	sbr.rel @p0 .LBB2_2-.Ltmp0, $4  }
0x29: {  	s19 =	sadd.s32 $0x2800, s20;
	[sflag:s16] =	ssyncadd.s32 $0xFFFFD800  }
0x2a: {  	[spmem:s2] =	stream.indirect.scatter.add.f32 [tilespmem:s15], [sflag:$0x2], $0x50, s19, s14, $0xb8;
	[tilespmem:$0x14000] =	vst v63  }
0x2b: {  	_ =	swait.ge [sflag:s12], $0x2800  }
0x2c: {  	s19 =	smov.u32 s21;
	[sflag:s12] =	ssyncset.done $0x0  }
0x2d: {  	s18 =	sshra.s32 s18, $0x2;
	[sflag:s12] =	ssyncadd.s32 $0xFFFFD800  }
0x2e: {  	[tilespmem:s15], [sflag:$0x1] =	stream.indirect.gather [hbm4b:s4+s14], $0x50, s18, s14, $0xb8;
	[tilespmem:$0x14000] =	vst v63  }
0x2f: {  	_ =	swait.ge [sflag:s16], $0x2800  }
0x30: {  	[sflag:s16] =	ssyncset.done $0x0  }
0x31: {  	s18 =	sadd.s32 $0x2800, s18;
	[sflag:s16] =	ssyncadd.s32 $0xFFFFD800  }
0x32: {  	[spmem:s2] =	stream.indirect.scatter.add.f32 [tilespmem:s15], [sflag:$0x2], $0x50, s18, s14, $0xb8;
	[tilespmem:$0x14000] =	vst v63  }
0x33: {  	_ =	swait.ge [sflag:s12], $0x2800  }
0x34: {  	s17 =	sadd.s32 $0x1, s17;
	[sflag:s12] =	ssyncset.done $0x0  }
0x35: {  	p0 =	sne.s32 s17, s10;
	[sflag:s12] =	ssyncadd.s32 $0xFFFFD800  }
.Ltmp1:
0x36: {  	[bflag:$0x0] =	sbarrier.arrive $0xFFFF;
	(pc) =	sbr.rel @p0 .LBB2_1-.Ltmp1, $4  }
0x37: {  	[hbm:s9], [sflag:s6] =	dma.local [spmem:s11], $0x1900  }
0x38: {  	_ =	swait.ge [sflag:s12], $0x1900  }
0x39: {  	[sflag:s12] =	ssyncset.done $0x0  }
0x3a: {  	[sflag:s12] =	ssyncadd.s32 $0xFFFFE700  }
0x3b: {  	_ =	sfence.sel $0x180000  }
0x3c: {  	[bflag:$0x0] =	sbarrier.arrive $0xFFFF  }
0x3d: {  	p0 =	sne.s32 s0, $0x0;
	_ =	strace $0x90000047  }
0x3e: {  	s0 =	sadd.s32 @!p0 $0x100000, s1;
	[bflag:$0x2] =	sbarrier.arrive $0xFFFF  }
0x3f: {  	[sflag:s0] =	ssyncadd.tile.s32 @!p0 $0x1;
	_ =	shalt  }
.Lfunc_end2:
_tile_overlayer_lowered:
.L_overlay_start_2:
0x40: {  	(tag) =	ssettag $0x2  }
0x41: {  	s0 =	rddreg [dreg:$0x0];
	s2 =	stileid.u32  }
0x42: {  	s1 =	rddreg [dreg:$0x1];
	p0 =	sne.s32 s2, $0x0  }
0x43: {  	s3 =	rddreg [dreg:$0x2];
	[bflag:$0x3] =	sbarrier.arrive $0xFFFF;
	s2 =	simm.s32 @!p0 $0x1C02  }
0x44: {  	[timem:s3], [sflag:s2] =	dma.local @!p0 [hbm:s0], s1  }
0x45: {  	s0 =	simm.s32 @!p0 $0x2  }
0x46: {  	_ =	swait.ge @!p0 [sflag:s0], s1  }
0x47: {  	s1 =	ssub.s32 @!p0 $0x0, s1;
	[sflag:s0] =	ssyncset.done @!p0 $0x0  }
0x48: {  	[sflag:s0] =	ssyncadd.s32 @!p0 s1  }
0x49: {  	[bflag:$0x3] =	sbarrier.arrive $0xFFFF  }
0x4a: {  	_ =	shalt  }

</sc_bundles>
